<compile_context>
chip_gen: v7x
topology: tpu7x:2x2x1
jax: 0.10.2.dev20260603
libtpu: 0.0.44.dev20260713+nightly
codegen_flags: <defaults>
</compile_context>

<pallas_src>
import jax
import jax.numpy as jnp
from jax import lax
from jax.experimental import pallas as pl
from jax.experimental.pallas import tpu as pltpu
from jax.experimental.pallas import tpu_sc as plsc

F32 = jnp.float32
W = 128




def _dotT(x, w):
    return lax.dot_general(x, w, (((1,), (1,)), ((), ())),
                           preferred_element_type=F32)


def _pre_body(x_ref, we_ref, be_ref, wr_ref, bl_ref, a_ref, b_ref):
    xb = x_ref[...]
    a_ref[...] = _dotT(xb, we_ref[...]) + be_ref[...]
    b_ref[...] = _dotT(xb, wr_ref[...]) + bl_ref[...]


def _mid_body(s0_ref, s1_ref, b_ref, we_ref, be_ref, wr_ref, bl_ref,
              a_ref, b_out_ref):
    s = s0_ref[0] + s1_ref[0]
    deg = jnp.maximum(s[:, 64:65], 1.0)
    h = jnp.maximum(s[:, :64] / deg + b_ref[...], 0.0)
    a_ref[...] = _dotT(h, we_ref[...]) + be_ref[...]
    b_out_ref[...] = _dotT(h, wr_ref[...]) + bl_ref[...]


def _post_body(s0_ref, s1_ref, b_ref, wfc_ref, bfc_ref, o_ref):
    s = s0_ref[0] + s1_ref[0]
    deg = jnp.maximum(s[:, 64:65], 1.0)
    h = jnp.maximum(s[:, :64] / deg + b_ref[...], 0.0)
    o_ref[...] = _dotT(h, wfc_ref[...]) + bfc_ref[...]


def _row_spec(blk, width):
    return pl.BlockSpec((blk, width), lambda i: (i, 0))


def _full_spec(shape):
    nd = len(shape)
    return pl.BlockSpec(shape, lambda i: (0,) * nd)


def _partial_spec(blk, width, part):
    return pl.BlockSpec((1, blk, width), lambda i, p=part: (p, i, 0))



_CB = 128


def _chunks(total, step):
    plan, off = [], 0
    while off < total:
        sz = min(step, total - off)
        plan.append((off, sz))
        off += sz
    return plan


def _make_sc_segsum(NP, ept_chunks):
    info = plsc.get_sparse_core_info()
    NC, NS = info.num_cores, info.num_subcores
    ZR = NP // NS
    mesh = plsc.VectorSubcoreMesh(core_axis_name="c", subcore_axis_name="s")

    out_type = jax.ShapeDtypeStruct((NC, NP, W), F32)
    scratch = [
        pltpu.VMEM_SHARED((NP, W), F32),
        pltpu.VMEM((_CB,), jnp.int32),
        pltpu.VMEM((_CB,), jnp.int32),
        pltpu.VMEM((_CB, W), F32),
        pltpu.SemaphoreType.DMA,
    ]

    def body(a_hbm, src_hbm, dst_hbm, s_out, s_tab, src_v, dst_v, rows_v,
             sem):
        c = lax.axis_index("c")
        s = lax.axis_index("s")
        wid = s * NC + c
        r0 = s * ZR

        z16 = jnp.zeros((16,), F32)

        def fill_zero(i, carry):
            for j in range(W // 16):
                rows_v[i, pl.ds(j * 16, 16)] = z16
            return carry

        lax.fori_loop(0, _CB, fill_zero, 0)
        for off, sz in _chunks(ZR, _CB):
            pltpu.sync_copy(rows_v.at[pl.ds(0, sz)],
                            s_tab.at[pl.ds(r0 + off, sz)])
        plsc.subcore_barrier()

        def chunk(k, carry):
            base = (wid * ept_chunks + k) * _CB
            pltpu.sync_copy(src_hbm.at[pl.ds(base, _CB)], src_v)
            pltpu.sync_copy(dst_hbm.at[pl.ds(base, _CB)], dst_v)
            pltpu.async_copy(a_hbm.at[src_v], rows_v, sem).wait()
            pltpu.sync_copy(rows_v, s_tab.at[dst_v], add=True)
            return carry

        lax.fori_loop(0, ept_chunks, chunk, 0)
        plsc.subcore_barrier()

        for off, sz in _chunks(ZR, _CB):
            pltpu.sync_copy(s_tab.at[pl.ds(r0 + off, sz)],
                            s_out.at[c, pl.ds(r0 + off, sz)])

    return pl.kernel(body, out_type=out_type, mesh=mesh,
                     scratch_types=scratch)




def kernel(x, edge_index, Wl1, bl1, Wr1, Wl2, bl2, Wr2, Wl3, bl3, Wr3,
           Wfc, bfc):
    N, D = x.shape
    H = Wl1.shape[0]
    OUT = Wfc.shape[0]
    E = edge_index.shape[1]
    NW = 32

    NP = ((N + 1 + 127) // 128) * 128
    ept = -(-E // (NW * _CB))
    EP = NW * ept * _CB
    src = edge_index[0]
    dst = edge_index[1]
    if EP > E:
        src = jnp.pad(src, (0, EP - E))
        dst = jnp.pad(dst, (0, EP - E), constant_values=N)
    xp = jnp.pad(x, ((0, NP - N), (0, 0)))

    def ext(wl):
        return jnp.zeros((W, wl.shape[1]), F32).at[:H].set(wl)

    be = jnp.zeros((1, W), F32).at[0, H].set(1.0)
    We1, We2, We3 = ext(Wl1), ext(Wl2), ext(Wl3)

    BLK = NP // 4
    grid = NP // BLK

    pre = pl.pallas_call(
        _pre_body,
        grid=(grid,),
        in_specs=[_row_spec(BLK, D), _full_spec((W, D)), _full_spec((1, W)),
                  _full_spec((H, D)), _full_spec((1, H))],
        out_specs=[_row_spec(BLK, W), _row_spec(BLK, H)],
        out_shape=[jax.ShapeDtypeStruct((NP, W), F32),
                   jax.ShapeDtypeStruct((NP, H), F32)],
    )
    mid = pl.pallas_call(
        _mid_body,
        grid=(grid,),
        in_specs=[_partial_spec(BLK, W, 0), _partial_spec(BLK, W, 1),
                  _row_spec(BLK, H),
                  _full_spec((W, H)), _full_spec((1, W)),
                  _full_spec((H, H)), _full_spec((1, H))],
        out_specs=[_row_spec(BLK, W), _row_spec(BLK, H)],
        out_shape=[jax.ShapeDtypeStruct((NP, W), F32),
                   jax.ShapeDtypeStruct((NP, H), F32)],
    )
    post = pl.pallas_call(
        _post_body,
        grid=(grid,),
        in_specs=[_partial_spec(BLK, W, 0), _partial_spec(BLK, W, 1),
                  _row_spec(BLK, H),
                  _full_spec((OUT, H)), _full_spec((1, OUT))],
        out_specs=_row_spec(BLK, OUT),
        out_shape=jax.ShapeDtypeStruct((NP, OUT), F32),
    )
    sc_segsum = _make_sc_segsum(NP, ept)

    bl1r = bl1.reshape(1, H)
    bl2r = bl2.reshape(1, H)
    bl3r = bl3.reshape(1, H)
    bfcr = bfc.reshape(1, OUT)

    a1, b1 = pre(xp, We1, be, Wr1, bl1r)
    s1 = sc_segsum(a1, src, dst)
    a2, b2 = mid(s1, s1, b1, We2, be, Wr2, bl2r)
    s2 = sc_segsum(a2, src, dst)
    a3, b3 = mid(s2, s2, b2, We3, be, Wr3, bl3r)
    s3 = sc_segsum(a3, src, dst)
    out = post(s3, s3, b3, Wfc, bfcr)
    return out[:N]

# --- scband reference (transcript-rebuilt; emitter-appended) ---
"""Pipeline reference for scband-wood-stress-gnn-31585189495032 (READ-ONLY COPY).

The authoritative reference and input builder live on the scoring server;
editing this copy changes nothing except your own understanding.
"""

import jax, jax.numpy as jnp
import numpy as np

N = 10000
E = 320000
D = 128
H = 64
OUT = 3


def setup_inputs(seed: int = 0) -> dict:
    key = jax.random.key(seed)
    ks = jax.random.split(key, 16)
    x = jax.random.normal(ks[0], (N, D), dtype=jnp.float32)
    edge_index = jax.random.randint(ks[1], (2, E), 0, N, dtype=jnp.int32)
    def lin(k, fan_out, fan_in):
        return jax.random.normal(k, (fan_out, fan_in), dtype=jnp.float32) / np.sqrt(fan_in)
    params = {
        'Wl1': lin(ks[2], H, D), 'bl1': jnp.zeros((H,), jnp.float32), 'Wr1': lin(ks[3], H, D),
        'Wl2': lin(ks[4], H, H), 'bl2': jnp.zeros((H,), jnp.float32), 'Wr2': lin(ks[5], H, H),
        'Wl3': lin(ks[6], H, H), 'bl3': jnp.zeros((H,), jnp.float32), 'Wr3': lin(ks[7], H, H),
        'Wfc': lin(ks[8], OUT, H), 'bfc': jnp.zeros((OUT,), jnp.float32),
    }
    return {'x': x, 'edge_index': edge_index, **params}


def _sage_conv(x, src, dst, Wl, bl, Wr):
    # PyG SAGEConv with mean aggregation: lin_l(mean_agg) + lin_r(x)
    n = x.shape[0]
    msgs = jnp.take(x, src, axis=0)
    agg = jax.ops.segment_sum(msgs, dst, num_segments=n)
    deg = jax.ops.segment_sum(jnp.ones((src.shape[0],), dtype=x.dtype), dst, num_segments=n)
    agg = agg / jnp.clip(deg, 1.0)[:, None]
    return agg @ Wl.T + bl + x @ Wr.T


def reference(x, edge_index, Wl1, bl1, Wr1, Wl2, bl2, Wr2, Wl3, bl3, Wr3, Wfc, bfc):
    src = edge_index[0]
    dst = edge_index[1]
    h = jax.nn.relu(_sage_conv(x, src, dst, Wl1, bl1, Wr1))
    h = jax.nn.relu(_sage_conv(h, src, dst, Wl2, bl2, Wr2))
    h = jax.nn.relu(_sage_conv(h, src, dst, Wl3, bl3, Wr3))
    out = h @ Wfc.T + bfc
    return out

if __name__ == "__main__":
    import jax
    _d = setup_inputs()
    print(jax.jit(kernel)(*tuple(_d.values())))

</pallas_src>

<mosaic_0001>
#map = affine_map<(d0, d1) -> (0, 0)>
#map1 = affine_map<(d0, d1) -> (0)>
#map2 = affine_map<(d0, d1) -> (0, 0, 0)>
module attributes {stable_mosaic.version = 14 : i64} {
  func.func @body(%arg0: i32, %arg1: i32, %arg2: memref<10112x128xf32, #tpu.memory_space<hbm>>, %arg3: memref<323584xi32, #tpu.memory_space<hbm>>, %arg4: memref<323584xi32, #tpu.memory_space<hbm>>, %arg5: memref<2x10112x128xf32, #tpu.memory_space<hbm>>, %arg6: memref<10112x128xf32, #tpu.memory_space<vmem_shared>>, %arg7: memref<128xi32, #tpu.memory_space<vmem>>, %arg8: memref<128xi32, #tpu.memory_space<vmem>>, %arg9: memref<128x128xf32, #tpu.memory_space<vmem>>, %arg10: memref<!tpu.dma_semaphore, #tpu.memory_space<semaphore_mem>>) attributes {dimension_semantics = [#tpu.dimension_semantics<core_parallel>, #tpu.dimension_semantics<subcore_parallel>], iteration_bounds = array<i64: 2, 16>, scalar_prefetch = 0 : i64, scratch_operands = 5 : i64, tpu.core_type = #tpu.core_type<sc_vector_subcore>, window_params = [{transform_indices = #map}, {transform_indices = #map1}, {transform_indices = #map1}, {transform_indices = #map2}]} {
    %mul3A = arith.constant 2 : i32
    %mul3A_0 = arith.muli %arg1, %mul3A : i32
    %add3A = arith.addi %mul3A_0, %arg0 : i32
    %mul3A_1 = arith.constant 632 : i32
    %mul3A_2 = arith.muli %arg1, %mul3A_1 : i32
    %broadcast_in_dim3A = arith.constant 0.000000e+00 : f32
    %broadcast_in_dim3A_3 = vector.broadcast %broadcast_in_dim3A : f32 to vector<16xf32>
    %scan3A = arith.constant 0 : i32
    %scan3A_4 = arith.constant 0 : i32
    %scan3A_5 = arith.constant 128 : i32
    %scan3A_6 = arith.addi %scan3A_4, %scan3A_5 : i32
    %scan3A_7 = arith.constant 1 : i32
    scf.for %scan3A_46 = %scan3A_4 to %scan3A_6 step %scan3A_7  : i32 {
      %swap3A = arith.index_cast %scan3A_46 : i32 to index
      %swap3A_47 = arith.constant 0 : index
      %swap3A_48 = tpu.vector_load %arg9[%swap3A, %swap3A_47] {strides = array<i32>} : memref<128x128xf32, #tpu.memory_space<vmem>>, vector<1x16xf32>,
      %swap3A_49 = vector.shape_cast %swap3A_48 : vector<1x16xf32> to vector<16xf32>
      %swap3A_50 = vector.shape_cast %broadcast_in_dim3A_3 : vector<16xf32> to vector<1x16xf32>
      tpu.vector_store %arg9[%swap3A, %swap3A_47], %swap3A_50 {strides = array<i32>} : memref<128x128xf32, #tpu.memory_space<vmem>>, vector<1x16xf32>,
      %swap3A_51 = arith.index_cast %scan3A_46 : i32 to index
      %swap3A_52 = arith.constant 16 : index
      %swap3A_53 = tpu.vector_load %arg9[%swap3A_51, %swap3A_52] {strides = array<i32>} : memref<128x128xf32, #tpu.memory_space<vmem>>, vector<1x16xf32>,
      %swap3A_54 = vector.shape_cast %swap3A_53 : vector<1x16xf32> to vector<16xf32>
      %swap3A_55 = vector.shape_cast %broadcast_in_dim3A_3 : vector<16xf32> to vector<1x16xf32>
      tpu.vector_store %arg9[%swap3A_51, %swap3A_52], %swap3A_55 {strides = array<i32>} : memref<128x128xf32, #tpu.memory_space<vmem>>, vector<1x16xf32>,
      %swap3A_56 = arith.index_cast %scan3A_46 : i32 to index
      %swap3A_57 = arith.constant 32 : index
      %swap3A_58 = tpu.vector_load %arg9[%swap3A_56, %swap3A_57] {strides = array<i32>} : memref<128x128xf32, #tpu.memory_space<vmem>>, vector<1x16xf32>,
      %swap3A_59 = vector.shape_cast %swap3A_58 : vector<1x16xf32> to vector<16xf32>
      %swap3A_60 = vector.shape_cast %broadcast_in_dim3A_3 : vector<16xf32> to vector<1x16xf32>
      tpu.vector_store %arg9[%swap3A_56, %swap3A_57], %swap3A_60 {strides = array<i32>} : memref<128x128xf32, #tpu.memory_space<vmem>>, vector<1x16xf32>,
      %swap3A_61 = arith.index_cast %scan3A_46 : i32 to index
      %swap3A_62 = arith.constant 48 : index
      %swap3A_63 = tpu.vector_load %arg9[%swap3A_61, %swap3A_62] {strides = array<i32>} : memref<128x128xf32, #tpu.memory_space<vmem>>, vector<1x16xf32>,
      %swap3A_64 = vector.shape_cast %swap3A_63 : vector<1x16xf32> to vector<16xf32>
      %swap3A_65 = vector.shape_cast %broadcast_in_dim3A_3 : vector<16xf32> to vector<1x16xf32>
      tpu.vector_store %arg9[%swap3A_61, %swap3A_62], %swap3A_65 {strides = array<i32>} : memref<128x128xf32, #tpu.memory_space<vmem>>, vector<1x16xf32>,
      %swap3A_66 = arith.index_cast %scan3A_46 : i32 to index
      %swap3A_67 = arith.constant 64 : index
      %swap3A_68 = tpu.vector_load %arg9[%swap3A_66, %swap3A_67] {strides = array<i32>} : memref<128x128xf32, #tpu.memory_space<vmem>>, vector<1x16xf32>,
      %swap3A_69 = vector.shape_cast %swap3A_68 : vector<1x16xf32> to vector<16xf32>
      %swap3A_70 = vector.shape_cast %broadcast_in_dim3A_3 : vector<16xf32> to vector<1x16xf32>
      tpu.vector_store %arg9[%swap3A_66, %swap3A_67], %swap3A_70 {strides = array<i32>} : memref<128x128xf32, #tpu.memory_space<vmem>>, vector<1x16xf32>,
      %swap3A_71 = arith.index_cast %scan3A_46 : i32 to index
      %swap3A_72 = arith.constant 80 : index
      %swap3A_73 = tpu.vector_load %arg9[%swap3A_71, %swap3A_72] {strides = array<i32>} : memref<128x128xf32, #tpu.memory_space<vmem>>, vector<1x16xf32>,
      %swap3A_74 = vector.shape_cast %swap3A_73 : vector<1x16xf32> to vector<16xf32>
      %swap3A_75 = vector.shape_cast %broadcast_in_dim3A_3 : vector<16xf32> to vector<1x16xf32>
      tpu.vector_store %arg9[%swap3A_71, %swap3A_72], %swap3A_75 {strides = array<i32>} : memref<128x128xf32, #tpu.memory_space<vmem>>, vector<1x16xf32>,
      %swap3A_76 = arith.index_cast %scan3A_46 : i32 to index
      %swap3A_77 = arith.constant 96 : index
      %swap3A_78 = tpu.vector_load %arg9[%swap3A_76, %swap3A_77] {strides = array<i32>} : memref<128x128xf32, #tpu.memory_space<vmem>>, vector<1x16xf32>,
      %swap3A_79 = vector.shape_cast %swap3A_78 : vector<1x16xf32> to vector<16xf32>
      %swap3A_80 = vector.shape_cast %broadcast_in_dim3A_3 : vector<16xf32> to vector<1x16xf32>
      tpu.vector_store %arg9[%swap3A_76, %swap3A_77], %swap3A_80 {strides = array<i32>} : memref<128x128xf32, #tpu.memory_space<vmem>>, vector<1x16xf32>,
      %swap3A_81 = arith.index_cast %scan3A_46 : i32 to index
      %swap3A_82 = arith.constant 112 : index
      %swap3A_83 = tpu.vector_load %arg9[%swap3A_81, %swap3A_82] {strides = array<i32>} : memref<128x128xf32, #tpu.memory_space<vmem>>, vector<1x16xf32>,
      %swap3A_84 = vector.shape_cast %swap3A_83 : vector<1x16xf32> to vector<16xf32>
      %swap3A_85 = vector.shape_cast %broadcast_in_dim3A_3 : vector<16xf32> to vector<1x16xf32>
      tpu.vector_store %arg9[%swap3A_81, %swap3A_82], %swap3A_85 {strides = array<i32>} : memref<128x128xf32, #tpu.memory_space<vmem>>, vector<1x16xf32>,
    }
    %scan3A_8 = arith.constant 128 : i32
    %add3A_9 = arith.constant 0 : i32
    %add3A_10 = arith.addi %mul3A_2, %add3A_9 : i32
    "tpu.region"() ({
      %run_scoped3A = tpu.sem_alloc : memref<!tpu.dma_semaphore, #tpu.memory_space<semaphore_mem>>
      %dma_start3A = arith.constant 0 : i32
      %dma_start3A_46 = arith.constant 0 : i32
      %dma_start3A_47 = tpu.memref_slice %arg9[%dma_start3A, %dma_start3A_46] : memref<128x128xf32, #tpu.memory_space<vmem>> -> memref<128x128xf32, #tpu.memory_space<vmem>>
      %dma_start3A_48 = arith.constant 0 : i32
      %dma_start3A_49 = tpu.memref_slice %arg6[%add3A_10, %dma_start3A_48] : memref<10112x128xf32, #tpu.memory_space<vmem_shared>> -> memref<128x128xf32, #tpu.memory_space<vmem_shared>>
      %dma_start3A_50 = arith.constant 0 : i32
      %dma_start3A_51 = tpu.memref_slice %arg6[%add3A_10, %dma_start3A_50] : memref<10112x128xf32, #tpu.memory_space<vmem_shared>> -> memref<128x128xf32, #tpu.memory_space<vmem_shared>>
      %dma_start3A_52 = arith.constant 0 : i32
      %dma_start3A_53 = arith.constant 0 : i32
      %dma_start3A_54 = tpu.memref_slice %arg9[%dma_start3A_52, %dma_start3A_53] : memref<128x128xf32, #tpu.memory_space<vmem>> -> memref<128x128xf32, #tpu.memory_space<vmem>>
      tpu.enqueue_dma source(%dma_start3A_54 : memref<128x128xf32, #tpu.memory_space<vmem>>) target(%dma_start3A_51 : memref<128x128xf32, #tpu.memory_space<vmem_shared>>) target_semaphore(%run_scoped3A : memref<!tpu.dma_semaphore, #tpu.memory_space<semaphore_mem>>)
      %dma_wait3A = arith.constant 0 : i32
      %dma_wait3A_55 = arith.constant 0 : i32
      %dma_wait3A_56 = tpu.memref_slice %arg9[%dma_wait3A, %dma_wait3A_55] : memref<128x128xf32, #tpu.memory_space<vmem>> -> memref<128x128xf32, #tpu.memory_space<vmem>>
      %dma_wait3A_57 = arith.constant 0 : i32
      %dma_wait3A_58 = tpu.memref_slice %arg6[%add3A_10, %dma_wait3A_57] : memref<10112x128xf32, #tpu.memory_space<vmem_shared>> -> memref<128x128xf32, #tpu.memory_space<vmem_shared>>
      %dma_wait3A_59 = arith.constant 0 : i32
      %dma_wait3A_60 = tpu.memref_slice %arg6[%add3A_10, %dma_wait3A_59] : memref<10112x128xf32, #tpu.memory_space<vmem_shared>> -> memref<128x128xf32, #tpu.memory_space<vmem_shared>>
      %dma_wait3A_61 = arith.constant 0 : i32
      %dma_wait3A_62 = arith.constant 0 : i32
      %dma_wait3A_63 = tpu.memref_slice %arg9[%dma_wait3A_61, %dma_wait3A_62] : memref<128x128xf32, #tpu.memory_space<vmem>> -> memref<128x128xf32, #tpu.memory_space<vmem>>
      tpu.wait_dma2 semaphore(%run_scoped3A : memref<!tpu.dma_semaphore, #tpu.memory_space<semaphore_mem>>) src(%dma_wait3A_63 : memref<128x128xf32, #tpu.memory_space<vmem>>) dst(%dma_wait3A_60 : memref<128x128xf32, #tpu.memory_space<vmem_shared>>)
      tpu.yield
    }) : () -> ()
    %add3A_11 = arith.constant 128 : i32
    %add3A_12 = arith.addi %mul3A_2, %add3A_11 : i32
    "tpu.region"() ({
      %run_scoped3A = tpu.sem_alloc : memref<!tpu.dma_semaphore, #tpu.memory_space<semaphore_mem>>
      %dma_start3A = arith.constant 0 : i32
      %dma_start3A_46 = arith.constant 0 : i32
      %dma_start3A_47 = tpu.memref_slice %arg9[%dma_start3A, %dma_start3A_46] : memref<128x128xf32, #tpu.memory_space<vmem>> -> memref<128x128xf32, #tpu.memory_space<vmem>>
      %dma_start3A_48 = arith.constant 0 : i32
      %dma_start3A_49 = tpu.memref_slice %arg6[%add3A_12, %dma_start3A_48] : memref<10112x128xf32, #tpu.memory_space<vmem_shared>> -> memref<128x128xf32, #tpu.memory_space<vmem_shared>>
      %dma_start3A_50 = arith.constant 0 : i32
      %dma_start3A_51 = tpu.memref_slice %arg6[%add3A_12, %dma_start3A_50] : memref<10112x128xf32, #tpu.memory_space<vmem_shared>> -> memref<128x128xf32, #tpu.memory_space<vmem_shared>>
      %dma_start3A_52 = arith.constant 0 : i32
      %dma_start3A_53 = arith.constant 0 : i32
      %dma_start3A_54 = tpu.memref_slice %arg9[%dma_start3A_52, %dma_start3A_53] : memref<128x128xf32, #tpu.memory_space<vmem>> -> memref<128x128xf32, #tpu.memory_space<vmem>>
      tpu.enqueue_dma source(%dma_start3A_54 : memref<128x128xf32, #tpu.memory_space<vmem>>) target(%dma_start3A_51 : memref<128x128xf32, #tpu.memory_space<vmem_shared>>) target_semaphore(%run_scoped3A : memref<!tpu.dma_semaphore, #tpu.memory_space<semaphore_mem>>)
      %dma_wait3A = arith.constant 0 : i32
      %dma_wait3A_55 = arith.constant 0 : i32
      %dma_wait3A_56 = tpu.memref_slice %arg9[%dma_wait3A, %dma_wait3A_55] : memref<128x128xf32, #tpu.memory_space<vmem>> -> memref<128x128xf32, #tpu.memory_space<vmem>>
      %dma_wait3A_57 = arith.constant 0 : i32
      %dma_wait3A_58 = tpu.memref_slice %arg6[%add3A_12, %dma_wait3A_57] : memref<10112x128xf32, #tpu.memory_space<vmem_shared>> -> memref<128x128xf32, #tpu.memory_space<vmem_shared>>
      %dma_wait3A_59 = arith.constant 0 : i32
      %dma_wait3A_60 = tpu.memref_slice %arg6[%add3A_12, %dma_wait3A_59] : memref<10112x128xf32, #tpu.memory_space<vmem_shared>> -> memref<128x128xf32, #tpu.memory_space<vmem_shared>>
      %dma_wait3A_61 = arith.constant 0 : i32
      %dma_wait3A_62 = arith.constant 0 : i32
      %dma_wait3A_63 = tpu.memref_slice %arg9[%dma_wait3A_61, %dma_wait3A_62] : memref<128x128xf32, #tpu.memory_space<vmem>> -> memref<128x128xf32, #tpu.memory_space<vmem>>
      tpu.wait_dma2 semaphore(%run_scoped3A : memref<!tpu.dma_semaphore, #tpu.memory_space<semaphore_mem>>) src(%dma_wait3A_63 : memref<128x128xf32, #tpu.memory_space<vmem>>) dst(%dma_wait3A_60 : memref<128x128xf32, #tpu.memory_space<vmem_shared>>)
      tpu.yield
    }) : () -> ()
    %add3A_13 = arith.constant 256 : i32
    %add3A_14 = arith.addi %mul3A_2, %add3A_13 : i32
    "tpu.region"() ({
      %run_scoped3A = tpu.sem_alloc : memref<!tpu.dma_semaphore, #tpu.memory_space<semaphore_mem>>
      %dma_start3A = arith.constant 0 : i32
      %dma_start3A_46 = arith.constant 0 : i32
      %dma_start3A_47 = tpu.memref_slice %arg9[%dma_start3A, %dma_start3A_46] : memref<128x128xf32, #tpu.memory_space<vmem>> -> memref<128x128xf32, #tpu.memory_space<vmem>>
      %dma_start3A_48 = arith.constant 0 : i32
      %dma_start3A_49 = tpu.memref_slice %arg6[%add3A_14, %dma_start3A_48] : memref<10112x128xf32, #tpu.memory_space<vmem_shared>> -> memref<128x128xf32, #tpu.memory_space<vmem_shared>>
      %dma_start3A_50 = arith.constant 0 : i32
      %dma_start3A_51 = tpu.memref_slice %arg6[%add3A_14, %dma_start3A_50] : memref<10112x128xf32, #tpu.memory_space<vmem_shared>> -> memref<128x128xf32, #tpu.memory_space<vmem_shared>>
      %dma_start3A_52 = arith.constant 0 : i32
      %dma_start3A_53 = arith.constant 0 : i32
      %dma_start3A_54 = tpu.memref_slice %arg9[%dma_start3A_52, %dma_start3A_53] : memref<128x128xf32, #tpu.memory_space<vmem>> -> memref<128x128xf32, #tpu.memory_space<vmem>>
      tpu.enqueue_dma source(%dma_start3A_54 : memref<128x128xf32, #tpu.memory_space<vmem>>) target(%dma_start3A_51 : memref<128x128xf32, #tpu.memory_space<vmem_shared>>) target_semaphore(%run_scoped3A : memref<!tpu.dma_semaphore, #tpu.memory_space<semaphore_mem>>)
      %dma_wait3A = arith.constant 0 : i32
      %dma_wait3A_55 = arith.constant 0 : i32
      %dma_wait3A_56 = tpu.memref_slice %arg9[%dma_wait3A, %dma_wait3A_55] : memref<128x128xf32, #tpu.memory_space<vmem>> -> memref<128x128xf32, #tpu.memory_space<vmem>>
      %dma_wait3A_57 = arith.constant 0 : i32
      %dma_wait3A_58 = tpu.memref_slice %arg6[%add3A_14, %dma_wait3A_57] : memref<10112x128xf32, #tpu.memory_space<vmem_shared>> -> memref<128x128xf32, #tpu.memory_space<vmem_shared>>
      %dma_wait3A_59 = arith.constant 0 : i32
      %dma_wait3A_60 = tpu.memref_slice %arg6[%add3A_14, %dma_wait3A_59] : memref<10112x128xf32, #tpu.memory_space<vmem_shared>> -> memref<128x128xf32, #tpu.memory_space<vmem_shared>>
      %dma_wait3A_61 = arith.constant 0 : i32
      %dma_wait3A_62 = arith.constant 0 : i32
      %dma_wait3A_63 = tpu.memref_slice %arg9[%dma_wait3A_61, %dma_wait3A_62] : memref<128x128xf32, #tpu.memory_space<vmem>> -> memref<128x128xf32, #tpu.memory_space<vmem>>
      tpu.wait_dma2 semaphore(%run_scoped3A : memref<!tpu.dma_semaphore, #tpu.memory_space<semaphore_mem>>) src(%dma_wait3A_63 : memref<128x128xf32, #tpu.memory_space<vmem>>) dst(%dma_wait3A_60 : memref<128x128xf32, #tpu.memory_space<vmem_shared>>)
      tpu.yield
    }) : () -> ()
    %add3A_15 = arith.constant 384 : i32
    %add3A_16 = arith.addi %mul3A_2, %add3A_15 : i32
    "tpu.region"() ({
      %run_scoped3A = tpu.sem_alloc : memref<!tpu.dma_semaphore, #tpu.memory_space<semaphore_mem>>
      %dma_start3A = arith.constant 0 : i32
      %dma_start3A_46 = arith.constant 0 : i32
      %dma_start3A_47 = tpu.memref_slice %arg9[%dma_start3A, %dma_start3A_46] : memref<128x128xf32, #tpu.memory_space<vmem>> -> memref<128x128xf32, #tpu.memory_space<vmem>>
      %dma_start3A_48 = arith.constant 0 : i32
      %dma_start3A_49 = tpu.memref_slice %arg6[%add3A_16, %dma_start3A_48] : memref<10112x128xf32, #tpu.memory_space<vmem_shared>> -> memref<128x128xf32, #tpu.memory_space<vmem_shared>>
      %dma_start3A_50 = arith.constant 0 : i32
      %dma_start3A_51 = tpu.memref_slice %arg6[%add3A_16, %dma_start3A_50] : memref<10112x128xf32, #tpu.memory_space<vmem_shared>> -> memref<128x128xf32, #tpu.memory_space<vmem_shared>>
      %dma_start3A_52 = arith.constant 0 : i32
      %dma_start3A_53 = arith.constant 0 : i32
      %dma_start3A_54 = tpu.memref_slice %arg9[%dma_start3A_52, %dma_start3A_53] : memref<128x128xf32, #tpu.memory_space<vmem>> -> memref<128x128xf32, #tpu.memory_space<vmem>>
      tpu.enqueue_dma source(%dma_start3A_54 : memref<128x128xf32, #tpu.memory_space<vmem>>) target(%dma_start3A_51 : memref<128x128xf32, #tpu.memory_space<vmem_shared>>) target_semaphore(%run_scoped3A : memref<!tpu.dma_semaphore, #tpu.memory_space<semaphore_mem>>)
      %dma_wait3A = arith.constant 0 : i32
      %dma_wait3A_55 = arith.constant 0 : i32
      %dma_wait3A_56 = tpu.memref_slice %arg9[%dma_wait3A, %dma_wait3A_55] : memref<128x128xf32, #tpu.memory_space<vmem>> -> memref<128x128xf32, #tpu.memory_space<vmem>>
      %dma_wait3A_57 = arith.constant 0 : i32
      %dma_wait3A_58 = tpu.memref_slice %arg6[%add3A_16, %dma_wait3A_57] : memref<10112x128xf32, #tpu.memory_space<vmem_shared>> -> memref<128x128xf32, #tpu.memory_space<vmem_shared>>
      %dma_wait3A_59 = arith.constant 0 : i32
      %dma_wait3A_60 = tpu.memref_slice %arg6[%add3A_16, %dma_wait3A_59] : memref<10112x128xf32, #tpu.memory_space<vmem_shared>> -> memref<128x128xf32, #tpu.memory_space<vmem_shared>>
      %dma_wait3A_61 = arith.constant 0 : i32
      %dma_wait3A_62 = arith.constant 0 : i32
      %dma_wait3A_63 = tpu.memref_slice %arg9[%dma_wait3A_61, %dma_wait3A_62] : memref<128x128xf32, #tpu.memory_space<vmem>> -> memref<128x128xf32, #tpu.memory_space<vmem>>
      tpu.wait_dma2 semaphore(%run_scoped3A : memref<!tpu.dma_semaphore, #tpu.memory_space<semaphore_mem>>) src(%dma_wait3A_63 : memref<128x128xf32, #tpu.memory_space<vmem>>) dst(%dma_wait3A_60 : memref<128x128xf32, #tpu.memory_space<vmem_shared>>)
      tpu.yield
    }) : () -> ()
    %add3A_17 = arith.constant 512 : i32
    %add3A_18 = arith.addi %mul3A_2, %add3A_17 : i32
    "tpu.region"() ({
      %run_scoped3A = tpu.sem_alloc : memref<!tpu.dma_semaphore, #tpu.memory_space<semaphore_mem>>
      %dma_start3A = arith.constant 0 : i32
      %dma_start3A_46 = arith.constant 0 : i32
      %dma_start3A_47 = tpu.memref_slice %arg9[%dma_start3A, %dma_start3A_46] : memref<128x128xf32, #tpu.memory_space<vmem>> -> memref<120x128xf32, #tpu.memory_space<vmem>>
      %dma_start3A_48 = arith.constant 0 : i32
      %dma_start3A_49 = tpu.memref_slice %arg6[%add3A_18, %dma_start3A_48] : memref<10112x128xf32, #tpu.memory_space<vmem_shared>> -> memref<120x128xf32, #tpu.memory_space<vmem_shared>>
      %dma_start3A_50 = arith.constant 0 : i32
      %dma_start3A_51 = tpu.memref_slice %arg6[%add3A_18, %dma_start3A_50] : memref<10112x128xf32, #tpu.memory_space<vmem_shared>> -> memref<120x128xf32, #tpu.memory_space<vmem_shared>>
      %dma_start3A_52 = arith.constant 0 : i32
      %dma_start3A_53 = arith.constant 0 : i32
      %dma_start3A_54 = tpu.memref_slice %arg9[%dma_start3A_52, %dma_start3A_53] : memref<128x128xf32, #tpu.memory_space<vmem>> -> memref<120x128xf32, #tpu.memory_space<vmem>>
      tpu.enqueue_dma source(%dma_start3A_54 : memref<120x128xf32, #tpu.memory_space<vmem>>) target(%dma_start3A_51 : memref<120x128xf32, #tpu.memory_space<vmem_shared>>) target_semaphore(%run_scoped3A : memref<!tpu.dma_semaphore, #tpu.memory_space<semaphore_mem>>)
      %dma_wait3A = arith.constant 0 : i32
      %dma_wait3A_55 = arith.constant 0 : i32
      %dma_wait3A_56 = tpu.memref_slice %arg9[%dma_wait3A, %dma_wait3A_55] : memref<128x128xf32, #tpu.memory_space<vmem>> -> memref<120x128xf32, #tpu.memory_space<vmem>>
      %dma_wait3A_57 = arith.constant 0 : i32
      %dma_wait3A_58 = tpu.memref_slice %arg6[%add3A_18, %dma_wait3A_57] : memref<10112x128xf32, #tpu.memory_space<vmem_shared>> -> memref<120x128xf32, #tpu.memory_space<vmem_shared>>
      %dma_wait3A_59 = arith.constant 0 : i32
      %dma_wait3A_60 = tpu.memref_slice %arg6[%add3A_18, %dma_wait3A_59] : memref<10112x128xf32, #tpu.memory_space<vmem_shared>> -> memref<120x128xf32, #tpu.memory_space<vmem_shared>>
      %dma_wait3A_61 = arith.constant 0 : i32
      %dma_wait3A_62 = arith.constant 0 : i32
      %dma_wait3A_63 = tpu.memref_slice %arg9[%dma_wait3A_61, %dma_wait3A_62] : memref<128x128xf32, #tpu.memory_space<vmem>> -> memref<120x128xf32, #tpu.memory_space<vmem>>
      tpu.wait_dma2 semaphore(%run_scoped3A : memref<!tpu.dma_semaphore, #tpu.memory_space<semaphore_mem>>) src(%dma_wait3A_63 : memref<120x128xf32, #tpu.memory_space<vmem>>) dst(%dma_wait3A_60 : memref<120x128xf32, #tpu.memory_space<vmem_shared>>)
      tpu.yield
    }) : () -> ()
    %barrier3A = arith.constant 0 : index
    tpu.barrier barrier_id(%barrier3A)
    %scan3A_19 = arith.constant 0 : i32
    %scan3A_20 = arith.constant 0 : i32
    %scan3A_21 = arith.constant 79 : i32
    %scan3A_22 = arith.addi %scan3A_20, %scan3A_21 : i32
    %scan3A_23 = arith.constant 1 : i32
    scf.for %scan3A_46 = %scan3A_20 to %scan3A_22 step %scan3A_23  : i32 {
      %mul3A_47 = arith.constant 79 : i32
      %mul3A_48 = arith.muli %add3A, %mul3A_47 : i32
      %add3A_49 = arith.addi %mul3A_48, %scan3A_46 : i32
      %mul3A_50 = arith.constant 128 : i32
      %mul3A_51 = arith.muli %add3A_49, %mul3A_50 : i32
      "tpu.region"() ({
        %run_scoped3A = tpu.sem_alloc : memref<!tpu.dma_semaphore, #tpu.memory_space<semaphore_mem>>
        %dma_start3A_56 = tpu.memref_slice %arg3[%mul3A_51] : memref<323584xi32, #tpu.memory_space<hbm>> -> memref<128xi32, #tpu.memory_space<hbm>>
        %dma_start3A_57 = tpu.memref_slice %arg3[%mul3A_51] : memref<323584xi32, #tpu.memory_space<hbm>> -> memref<128xi32, #tpu.memory_space<hbm>>
        tpu.enqueue_dma source(%dma_start3A_57 : memref<128xi32, #tpu.memory_space<hbm>>) target(%arg7 : memref<128xi32, #tpu.memory_space<vmem>>) target_semaphore(%run_scoped3A : memref<!tpu.dma_semaphore, #tpu.memory_space<semaphore_mem>>)
        %dma_wait3A_58 = tpu.memref_slice %arg3[%mul3A_51] : memref<323584xi32, #tpu.memory_space<hbm>> -> memref<128xi32, #tpu.memory_space<hbm>>
        %dma_wait3A_59 = tpu.memref_slice %arg3[%mul3A_51] : memref<323584xi32, #tpu.memory_space<hbm>> -> memref<128xi32, #tpu.memory_space<hbm>>
        tpu.wait_dma2 semaphore(%run_scoped3A : memref<!tpu.dma_semaphore, #tpu.memory_space<semaphore_mem>>) src(%dma_wait3A_59 : memref<128xi32, #tpu.memory_space<hbm>>) dst(%arg7 : memref<128xi32, #tpu.memory_space<vmem>>)
        tpu.yield
      }) : () -> ()
      "tpu.region"() ({
        %run_scoped3A = tpu.sem_alloc : memref<!tpu.dma_semaphore, #tpu.memory_space<semaphore_mem>>
        %dma_start3A_56 = tpu.memref_slice %arg4[%mul3A_51] : memref<323584xi32, #tpu.memory_space<hbm>> -> memref<128xi32, #tpu.memory_space<hbm>>
        %dma_start3A_57 = tpu.memref_slice %arg4[%mul3A_51] : memref<323584xi32, #tpu.memory_space<hbm>> -> memref<128xi32, #tpu.memory_space<hbm>>
        tpu.enqueue_dma source(%dma_start3A_57 : memref<128xi32, #tpu.memory_space<hbm>>) target(%arg8 : memref<128xi32, #tpu.memory_space<vmem>>) target_semaphore(%run_scoped3A : memref<!tpu.dma_semaphore, #tpu.memory_space<semaphore_mem>>)
        %dma_wait3A_58 = tpu.memref_slice %arg4[%mul3A_51] : memref<323584xi32, #tpu.memory_space<hbm>> -> memref<128xi32, #tpu.memory_space<hbm>>
        %dma_wait3A_59 = tpu.memref_slice %arg4[%mul3A_51] : memref<323584xi32, #tpu.memory_space<hbm>> -> memref<128xi32, #tpu.memory_space<hbm>>
        tpu.wait_dma2 semaphore(%run_scoped3A : memref<!tpu.dma_semaphore, #tpu.memory_space<semaphore_mem>>) src(%dma_wait3A_59 : memref<128xi32, #tpu.memory_space<hbm>>) dst(%arg8 : memref<128xi32, #tpu.memory_space<vmem>>)
        tpu.yield
      }) : () -> ()
      %dma_start3A = arith.constant 0 : i32
      %dma_start3A_52 = arith.constant 0 : i32
      %dma_start3A_53 = tpu.memref_slice %arg2[%dma_start3A, %dma_start3A_52] : memref<10112x128xf32, #tpu.memory_space<hbm>> -> memref<10112x128xf32, #tpu.memory_space<hbm>>
      tpu.enqueue_indirect_dma source(%dma_start3A_53 : memref<10112x128xf32, #tpu.memory_space<hbm>>) target(%arg9 : memref<128x128xf32, #tpu.memory_space<vmem>>) offsets(%arg7 : memref<128xi32, #tpu.memory_space<vmem>>) semaphore(%arg10 : memref<!tpu.dma_semaphore, #tpu.memory_space<semaphore_mem>>)
      %dma_wait3A = arith.constant 0 : i32
      %dma_wait3A_54 = arith.constant 0 : i32
      %dma_wait3A_55 = tpu.memref_slice %arg2[%dma_wait3A, %dma_wait3A_54] : memref<10112x128xf32, #tpu.memory_space<hbm>> -> memref<10112x128xf32, #tpu.memory_space<hbm>>
      tpu.wait_indirect_dma semaphore(%arg10 : memref<!tpu.dma_semaphore, #tpu.memory_space<semaphore_mem>>) src(%dma_wait3A_55 : memref<10112x128xf32, #tpu.memory_space<hbm>>) dst(%arg9 : memref<128x128xf32, #tpu.memory_space<vmem>>)
      "tpu.region"() ({
        %run_scoped3A = tpu.sem_alloc : memref<!tpu.dma_semaphore, #tpu.memory_space<semaphore_mem>>
        %dma_start3A_56 = arith.constant 0 : i32
        %dma_start3A_57 = arith.constant 0 : i32
        %dma_start3A_58 = tpu.memref_slice %arg6[%dma_start3A_56, %dma_start3A_57] : memref<10112x128xf32, #tpu.memory_space<vmem_shared>> -> memref<10112x128xf32, #tpu.memory_space<vmem_shared>>
        tpu.enqueue_indirect_dma source(%arg9 : memref<128x128xf32, #tpu.memory_space<vmem>>) target(%dma_start3A_58 : memref<10112x128xf32, #tpu.memory_space<vmem_shared>>) offsets(%arg8 : memref<128xi32, #tpu.memory_space<vmem>>) semaphore(%run_scoped3A : memref<!tpu.dma_semaphore, #tpu.memory_space<semaphore_mem>>) {add = true}
        %dma_wait3A_59 = arith.constant 0 : i32
        %dma_wait3A_60 = arith.constant 0 : i32
        %dma_wait3A_61 = tpu.memref_slice %arg6[%dma_wait3A_59, %dma_wait3A_60] : memref<10112x128xf32, #tpu.memory_space<vmem_shared>> -> memref<10112x128xf32, #tpu.memory_space<vmem_shared>>
        tpu.wait_indirect_dma semaphore(%run_scoped3A : memref<!tpu.dma_semaphore, #tpu.memory_space<semaphore_mem>>) src(%arg9 : memref<128x128xf32, #tpu.memory_space<vmem>>) dst(%dma_wait3A_61 : memref<10112x128xf32, #tpu.memory_space<vmem_shared>>)
        tpu.yield
      }) : () -> ()
    }
    %scan3A_24 = arith.constant 79 : i32
    %barrier3A_25 = arith.constant 0 : index
    tpu.barrier barrier_id(%barrier3A_25)
    %add3A_26 = arith.constant 0 : i32
    %add3A_27 = arith.addi %mul3A_2, %add3A_26 : i32
    %add3A_28 = arith.constant 0 : i32
    %add3A_29 = arith.addi %mul3A_2, %add3A_28 : i32
    "tpu.region"() ({
      %run_scoped3A = tpu.sem_alloc : memref<!tpu.dma_semaphore, #tpu.memory_space<semaphore_mem>>
      %dma_start3A = arith.constant 0 : i32
      %dma_start3A_46 = tpu.memref_slice %arg5[%arg0, %add3A_29, %dma_start3A] : memref<2x10112x128xf32, #tpu.memory_space<hbm>> -> memref<1x128x128xf32, #tpu.memory_space<hbm>>
      %dma_start3A_47 = tpu.memref_squeeze %dma_start3A_46 : memref<1x128x128xf32, #tpu.memory_space<hbm>> -> memref<128x128xf32, #tpu.memory_space<hbm>>
      %dma_start3A_48 = arith.constant 0 : i32
      %dma_start3A_49 = tpu.memref_slice %arg6[%add3A_27, %dma_start3A_48] : memref<10112x128xf32, #tpu.memory_space<vmem_shared>> -> memref<128x128xf32, #tpu.memory_space<vmem_shared>>
      tpu.enqueue_dma source(%dma_start3A_49 : memref<128x128xf32, #tpu.memory_space<vmem_shared>>) target(%dma_start3A_47 : memref<128x128xf32, #tpu.memory_space<hbm>>) target_semaphore(%run_scoped3A : memref<!tpu.dma_semaphore, #tpu.memory_space<semaphore_mem>>)
      %dma_wait3A = arith.constant 0 : i32
      %dma_wait3A_50 = tpu.memref_slice %arg5[%arg0, %add3A_29, %dma_wait3A] : memref<2x10112x128xf32, #tpu.memory_space<hbm>> -> memref<1x128x128xf32, #tpu.memory_space<hbm>>
      %dma_wait3A_51 = tpu.memref_squeeze %dma_wait3A_50 : memref<1x128x128xf32, #tpu.memory_space<hbm>> -> memref<128x128xf32, #tpu.memory_space<hbm>>
      %dma_wait3A_52 = arith.constant 0 : i32
      %dma_wait3A_53 = tpu.memref_slice %arg6[%add3A_27, %dma_wait3A_52] : memref<10112x128xf32, #tpu.memory_space<vmem_shared>> -> memref<128x128xf32, #tpu.memory_space<vmem_shared>>
      tpu.wait_dma2 semaphore(%run_scoped3A : memref<!tpu.dma_semaphore, #tpu.memory_space<semaphore_mem>>) src(%dma_wait3A_53 : memref<128x128xf32, #tpu.memory_space<vmem_shared>>) dst(%dma_wait3A_51 : memref<128x128xf32, #tpu.memory_space<hbm>>)
      tpu.yield
    }) : () -> ()
    %add3A_30 = arith.constant 128 : i32
    %add3A_31 = arith.addi %mul3A_2, %add3A_30 : i32
    %add3A_32 = arith.constant 128 : i32
    %add3A_33 = arith.addi %mul3A_2, %add3A_32 : i32
    "tpu.region"() ({
      %run_scoped3A = tpu.sem_alloc : memref<!tpu.dma_semaphore, #tpu.memory_space<semaphore_mem>>
      %dma_start3A = arith.constant 0 : i32
      %dma_start3A_46 = tpu.memref_slice %arg5[%arg0, %add3A_33, %dma_start3A] : memref<2x10112x128xf32, #tpu.memory_space<hbm>> -> memref<1x128x128xf32, #tpu.memory_space<hbm>>
      %dma_start3A_47 = tpu.memref_squeeze %dma_start3A_46 : memref<1x128x128xf32, #tpu.memory_space<hbm>> -> memref<128x128xf32, #tpu.memory_space<hbm>>
      %dma_start3A_48 = arith.constant 0 : i32
      %dma_start3A_49 = tpu.memref_slice %arg6[%add3A_31, %dma_start3A_48] : memref<10112x128xf32, #tpu.memory_space<vmem_shared>> -> memref<128x128xf32, #tpu.memory_space<vmem_shared>>
      tpu.enqueue_dma source(%dma_start3A_49 : memref<128x128xf32, #tpu.memory_space<vmem_shared>>) target(%dma_start3A_47 : memref<128x128xf32, #tpu.memory_space<hbm>>) target_semaphore(%run_scoped3A : memref<!tpu.dma_semaphore, #tpu.memory_space<semaphore_mem>>)
      %dma_wait3A = arith.constant 0 : i32
      %dma_wait3A_50 = tpu.memref_slice %arg5[%arg0, %add3A_33, %dma_wait3A] : memref<2x10112x128xf32, #tpu.memory_space<hbm>> -> memref<1x128x128xf32, #tpu.memory_space<hbm>>
      %dma_wait3A_51 = tpu.memref_squeeze %dma_wait3A_50 : memref<1x128x128xf32, #tpu.memory_space<hbm>> -> memref<128x128xf32, #tpu.memory_space<hbm>>
      %dma_wait3A_52 = arith.constant 0 : i32
      %dma_wait3A_53 = tpu.memref_slice %arg6[%add3A_31, %dma_wait3A_52] : memref<10112x128xf32, #tpu.memory_space<vmem_shared>> -> memref<128x128xf32, #tpu.memory_space<vmem_shared>>
      tpu.wait_dma2 semaphore(%run_scoped3A : memref<!tpu.dma_semaphore, #tpu.memory_space<semaphore_mem>>) src(%dma_wait3A_53 : memref<128x128xf32, #tpu.memory_space<vmem_shared>>) dst(%dma_wait3A_51 : memref<128x128xf32, #tpu.memory_space<hbm>>)
      tpu.yield
    }) : () -> ()
    %add3A_34 = arith.constant 256 : i32
    %add3A_35 = arith.addi %mul3A_2, %add3A_34 : i32
    %add3A_36 = arith.constant 256 : i32
    %add3A_37 = arith.addi %mul3A_2, %add3A_36 : i32
    "tpu.region"() ({
      %run_scoped3A = tpu.sem_alloc : memref<!tpu.dma_semaphore, #tpu.memory_space<semaphore_mem>>
      %dma_start3A = arith.constant 0 : i32
      %dma_start3A_46 = tpu.memref_slice %arg5[%arg0, %add3A_37, %dma_start3A] : memref<2x10112x128xf32, #tpu.memory_space<hbm>> -> memref<1x128x128xf32, #tpu.memory_space<hbm>>
      %dma_start3A_47 = tpu.memref_squeeze %dma_start3A_46 : memref<1x128x128xf32, #tpu.memory_space<hbm>> -> memref<128x128xf32, #tpu.memory_space<hbm>>
      %dma_start3A_48 = arith.constant 0 : i32
      %dma_start3A_49 = tpu.memref_slice %arg6[%add3A_35, %dma_start3A_48] : memref<10112x128xf32, #tpu.memory_space<vmem_shared>> -> memref<128x128xf32, #tpu.memory_space<vmem_shared>>
      tpu.enqueue_dma source(%dma_start3A_49 : memref<128x128xf32, #tpu.memory_space<vmem_shared>>) target(%dma_start3A_47 : memref<128x128xf32, #tpu.memory_space<hbm>>) target_semaphore(%run_scoped3A : memref<!tpu.dma_semaphore, #tpu.memory_space<semaphore_mem>>)
      %dma_wait3A = arith.constant 0 : i32
      %dma_wait3A_50 = tpu.memref_slice %arg5[%arg0, %add3A_37, %dma_wait3A] : memref<2x10112x128xf32, #tpu.memory_space<hbm>> -> memref<1x128x128xf32, #tpu.memory_space<hbm>>
      %dma_wait3A_51 = tpu.memref_squeeze %dma_wait3A_50 : memref<1x128x128xf32, #tpu.memory_space<hbm>> -> memref<128x128xf32, #tpu.memory_space<hbm>>
      %dma_wait3A_52 = arith.constant 0 : i32
      %dma_wait3A_53 = tpu.memref_slice %arg6[%add3A_35, %dma_wait3A_52] : memref<10112x128xf32, #tpu.memory_space<vmem_shared>> -> memref<128x128xf32, #tpu.memory_space<vmem_shared>>
      tpu.wait_dma2 semaphore(%run_scoped3A : memref<!tpu.dma_semaphore, #tpu.memory_space<semaphore_mem>>) src(%dma_wait3A_53 : memref<128x128xf32, #tpu.memory_space<vmem_shared>>) dst(%dma_wait3A_51 : memref<128x128xf32, #tpu.memory_space<hbm>>)
      tpu.yield
    }) : () -> ()
    %add3A_38 = arith.constant 384 : i32
    %add3A_39 = arith.addi %mul3A_2, %add3A_38 : i32
    %add3A_40 = arith.constant 384 : i32
    %add3A_41 = arith.addi %mul3A_2, %add3A_40 : i32
    "tpu.region"() ({
      %run_scoped3A = tpu.sem_alloc : memref<!tpu.dma_semaphore, #tpu.memory_space<semaphore_mem>>
      %dma_start3A = arith.constant 0 : i32
      %dma_start3A_46 = tpu.memref_slice %arg5[%arg0, %add3A_41, %dma_start3A] : memref<2x10112x128xf32, #tpu.memory_space<hbm>> -> memref<1x128x128xf32, #tpu.memory_space<hbm>>
      %dma_start3A_47 = tpu.memref_squeeze %dma_start3A_46 : memref<1x128x128xf32, #tpu.memory_space<hbm>> -> memref<128x128xf32, #tpu.memory_space<hbm>>
      %dma_start3A_48 = arith.constant 0 : i32
      %dma_start3A_49 = tpu.memref_slice %arg6[%add3A_39, %dma_start3A_48] : memref<10112x128xf32, #tpu.memory_space<vmem_shared>> -> memref<128x128xf32, #tpu.memory_space<vmem_shared>>
      tpu.enqueue_dma source(%dma_start3A_49 : memref<128x128xf32, #tpu.memory_space<vmem_shared>>) target(%dma_start3A_47 : memref<128x128xf32, #tpu.memory_space<hbm>>) target_semaphore(%run_scoped3A : memref<!tpu.dma_semaphore, #tpu.memory_space<semaphore_mem>>)
      %dma_wait3A = arith.constant 0 : i32
      %dma_wait3A_50 = tpu.memref_slice %arg5[%arg0, %add3A_41, %dma_wait3A] : memref<2x10112x128xf32, #tpu.memory_space<hbm>> -> memref<1x128x128xf32, #tpu.memory_space<hbm>>
      %dma_wait3A_51 = tpu.memref_squeeze %dma_wait3A_50 : memref<1x128x128xf32, #tpu.memory_space<hbm>> -> memref<128x128xf32, #tpu.memory_space<hbm>>
      %dma_wait3A_52 = arith.constant 0 : i32
      %dma_wait3A_53 = tpu.memref_slice %arg6[%add3A_39, %dma_wait3A_52] : memref<10112x128xf32, #tpu.memory_space<vmem_shared>> -> memref<128x128xf32, #tpu.memory_space<vmem_shared>>
      tpu.wait_dma2 semaphore(%run_scoped3A : memref<!tpu.dma_semaphore, #tpu.memory_space<semaphore_mem>>) src(%dma_wait3A_53 : memref<128x128xf32, #tpu.memory_space<vmem_shared>>) dst(%dma_wait3A_51 : memref<128x128xf32, #tpu.memory_space<hbm>>)
      tpu.yield
    }) : () -> ()
    %add3A_42 = arith.constant 512 : i32
    %add3A_43 = arith.addi %mul3A_2, %add3A_42 : i32
    %add3A_44 = arith.constant 512 : i32
    %add3A_45 = arith.addi %mul3A_2, %add3A_44 : i32
    "tpu.region"() ({
      %run_scoped3A = tpu.sem_alloc : memref<!tpu.dma_semaphore, #tpu.memory_space<semaphore_mem>>
      %dma_start3A = arith.constant 0 : i32
      %dma_start3A_46 = tpu.memref_slice %arg5[%arg0, %add3A_45, %dma_start3A] : memref<2x10112x128xf32, #tpu.memory_space<hbm>> -> memref<1x120x128xf32, #tpu.memory_space<hbm>>
      %dma_start3A_47 = tpu.memref_squeeze %dma_start3A_46 : memref<1x120x128xf32, #tpu.memory_space<hbm>> -> memref<120x128xf32, #tpu.memory_space<hbm>>
      %dma_start3A_48 = arith.constant 0 : i32
      %dma_start3A_49 = tpu.memref_slice %arg6[%add3A_43, %dma_start3A_48] : memref<10112x128xf32, #tpu.memory_space<vmem_shared>> -> memref<120x128xf32, #tpu.memory_space<vmem_shared>>
      tpu.enqueue_dma source(%dma_start3A_49 : memref<120x128xf32, #tpu.memory_space<vmem_shared>>) target(%dma_start3A_47 : memref<120x128xf32, #tpu.memory_space<hbm>>) target_semaphore(%run_scoped3A : memref<!tpu.dma_semaphore, #tpu.memory_space<semaphore_mem>>)
      %dma_wait3A = arith.constant 0 : i32
      %dma_wait3A_50 = tpu.memref_slice %arg5[%arg0, %add3A_45, %dma_wait3A] : memref<2x10112x128xf32, #tpu.memory_space<hbm>> -> memref<1x120x128xf32, #tpu.memory_space<hbm>>
      %dma_wait3A_51 = tpu.memref_squeeze %dma_wait3A_50 : memref<1x120x128xf32, #tpu.memory_space<hbm>> -> memref<120x128xf32, #tpu.memory_space<hbm>>
      %dma_wait3A_52 = arith.constant 0 : i32
      %dma_wait3A_53 = tpu.memref_slice %arg6[%add3A_43, %dma_wait3A_52] : memref<10112x128xf32, #tpu.memory_space<vmem_shared>> -> memref<120x128xf32, #tpu.memory_space<vmem_shared>>
      tpu.wait_dma2 semaphore(%run_scoped3A : memref<!tpu.dma_semaphore, #tpu.memory_space<semaphore_mem>>) src(%dma_wait3A_53 : memref<120x128xf32, #tpu.memory_space<vmem_shared>>) dst(%dma_wait3A_51 : memref<120x128xf32, #tpu.memory_space<hbm>>)
      tpu.yield
    }) : () -> ()
    return
  }
}

#map = affine_map<(d0, d1) -> (0, 0)>
#map1 = affine_map<(d0, d1) -> (0)>
#map2 = affine_map<(d0, d1) -> (0, 0, 0)>
module attributes {stable_mosaic.version = 14 : i64} {
  func.func @body(%arg0: i32, %arg1: i32, %arg2: memref<10112x128xf32, #tpu.memory_space<hbm>>, %arg3: memref<323584xi32, #tpu.memory_space<hbm>>, %arg4: memref<323584xi32, #tpu.memory_space<hbm>>, %arg5: memref<2x10112x128xf32, #tpu.memory_space<hbm>>, %arg6: memref<10112x128xf32, #tpu.memory_space<vmem_shared>>, %arg7: memref<128xi32, #tpu.memory_space<vmem>>, %arg8: memref<128xi32, #tpu.memory_space<vmem>>, %arg9: memref<128x128xf32, #tpu.memory_space<vmem>>, %arg10: memref<!tpu.dma_semaphore, #tpu.memory_space<semaphore_mem>>) attributes {dimension_semantics = [#tpu.dimension_semantics<core_parallel>, #tpu.dimension_semantics<subcore_parallel>], iteration_bounds = array<i64: 2, 16>, scalar_prefetch = 0 : i64, scratch_operands = 5 : i64, tpu.core_type = #tpu.core_type<sc_vector_subcore>, window_params = [{transform_indices = #map}, {transform_indices = #map1}, {transform_indices = #map1}, {transform_indices = #map2}]} {
    %mul3A = arith.constant 2 : i32
    %mul3A_0 = arith.muli %arg1, %mul3A : i32
    %add3A = arith.addi %mul3A_0, %arg0 : i32
    %mul3A_1 = arith.constant 632 : i32
    %mul3A_2 = arith.muli %arg1, %mul3A_1 : i32
    %broadcast_in_dim3A = arith.constant 0.000000e+00 : f32
    %broadcast_in_dim3A_3 = vector.broadcast %broadcast_in_dim3A : f32 to vector<16xf32>
    %scan3A = arith.constant 0 : i32
    %scan3A_4 = arith.constant 0 : i32
    %scan3A_5 = arith.constant 128 : i32
    %scan3A_6 = arith.addi %scan3A_4, %scan3A_5 : i32
    %scan3A_7 = arith.constant 1 : i32
    scf.for %scan3A_46 = %scan3A_4 to %scan3A_6 step %scan3A_7  : i32 {
      %swap3A = arith.index_cast %scan3A_46 : i32 to index
      %swap3A_47 = arith.constant 0 : index
      %swap3A_48 = tpu.vector_load %arg9[%swap3A, %swap3A_47] {strides = array<i32>} : memref<128x128xf32, #tpu.memory_space<vmem>>, vector<1x16xf32>,
      %swap3A_49 = vector.shape_cast %swap3A_48 : vector<1x16xf32> to vector<16xf32>
      %swap3A_50 = vector.shape_cast %broadcast_in_dim3A_3 : vector<16xf32> to vector<1x16xf32>
      tpu.vector_store %arg9[%swap3A, %swap3A_47], %swap3A_50 {strides = array<i32>} : memref<128x128xf32, #tpu.memory_space<vmem>>, vector<1x16xf32>,
      %swap3A_51 = arith.index_cast %scan3A_46 : i32 to index
      %swap3A_52 = arith.constant 16 : index
      %swap3A_53 = tpu.vector_load %arg9[%swap3A_51, %swap3A_52] {strides = array<i32>} : memref<128x128xf32, #tpu.memory_space<vmem>>, vector<1x16xf32>,
      %swap3A_54 = vector.shape_cast %swap3A_53 : vector<1x16xf32> to vector<16xf32>
      %swap3A_55 = vector.shape_cast %broadcast_in_dim3A_3 : vector<16xf32> to vector<1x16xf32>
      tpu.vector_store %arg9[%swap3A_51, %swap3A_52], %swap3A_55 {strides = array<i32>} : memref<128x128xf32, #tpu.memory_space<vmem>>, vector<1x16xf32>,
      %swap3A_56 = arith.index_cast %scan3A_46 : i32 to index
      %swap3A_57 = arith.constant 32 : index
      %swap3A_58 = tpu.vector_load %arg9[%swap3A_56, %swap3A_57] {strides = array<i32>} : memref<128x128xf32, #tpu.memory_space<vmem>>, vector<1x16xf32>,
      %swap3A_59 = vector.shape_cast %swap3A_58 : vector<1x16xf32> to vector<16xf32>
      %swap3A_60 = vector.shape_cast %broadcast_in_dim3A_3 : vector<16xf32> to vector<1x16xf32>
      tpu.vector_store %arg9[%swap3A_56, %swap3A_57], %swap3A_60 {strides = array<i32>} : memref<128x128xf32, #tpu.memory_space<vmem>>, vector<1x16xf32>,
      %swap3A_61 = arith.index_cast %scan3A_46 : i32 to index
      %swap3A_62 = arith.constant 48 : index
      %swap3A_63 = tpu.vector_load %arg9[%swap3A_61, %swap3A_62] {strides = array<i32>} : memref<128x128xf32, #tpu.memory_space<vmem>>, vector<1x16xf32>,
      %swap3A_64 = vector.shape_cast %swap3A_63 : vector<1x16xf32> to vector<16xf32>
      %swap3A_65 = vector.shape_cast %broadcast_in_dim3A_3 : vector<16xf32> to vector<1x16xf32>
      tpu.vector_store %arg9[%swap3A_61, %swap3A_62], %swap3A_65 {strides = array<i32>} : memref<128x128xf32, #tpu.memory_space<vmem>>, vector<1x16xf32>,
      %swap3A_66 = arith.index_cast %scan3A_46 : i32 to index
      %swap3A_67 = arith.constant 64 : index
      %swap3A_68 = tpu.vector_load %arg9[%swap3A_66, %swap3A_67] {strides = array<i32>} : memref<128x128xf32, #tpu.memory_space<vmem>>, vector<1x16xf32>,
      %swap3A_69 = vector.shape_cast %swap3A_68 : vector<1x16xf32> to vector<16xf32>
      %swap3A_70 = vector.shape_cast %broadcast_in_dim3A_3 : vector<16xf32> to vector<1x16xf32>
      tpu.vector_store %arg9[%swap3A_66, %swap3A_67], %swap3A_70 {strides = array<i32>} : memref<128x128xf32, #tpu.memory_space<vmem>>, vector<1x16xf32>,
      %swap3A_71 = arith.index_cast %scan3A_46 : i32 to index
      %swap3A_72 = arith.constant 80 : index
      %swap3A_73 = tpu.vector_load %arg9[%swap3A_71, %swap3A_72] {strides = array<i32>} : memref<128x128xf32, #tpu.memory_space<vmem>>, vector<1x16xf32>,
      %swap3A_74 = vector.shape_cast %swap3A_73 : vector<1x16xf32> to vector<16xf32>
      %swap3A_75 = vector.shape_cast %broadcast_in_dim3A_3 : vector<16xf32> to vector<1x16xf32>
      tpu.vector_store %arg9[%swap3A_71, %swap3A_72], %swap3A_75 {strides = array<i32>} : memref<128x128xf32, #tpu.memory_space<vmem>>, vector<1x16xf32>,
      %swap3A_76 = arith.index_cast %scan3A_46 : i32 to index
      %swap3A_77 = arith.constant 96 : index
      %swap3A_78 = tpu.vector_load %arg9[%swap3A_76, %swap3A_77] {strides = array<i32>} : memref<128x128xf32, #tpu.memory_space<vmem>>, vector<1x16xf32>,
      %swap3A_79 = vector.shape_cast %swap3A_78 : vector<1x16xf32> to vector<16xf32>
      %swap3A_80 = vector.shape_cast %broadcast_in_dim3A_3 : vector<16xf32> to vector<1x16xf32>
      tpu.vector_store %arg9[%swap3A_76, %swap3A_77], %swap3A_80 {strides = array<i32>} : memref<128x128xf32, #tpu.memory_space<vmem>>, vector<1x16xf32>,
      %swap3A_81 = arith.index_cast %scan3A_46 : i32 to index
      %swap3A_82 = arith.constant 112 : index
      %swap3A_83 = tpu.vector_load %arg9[%swap3A_81, %swap3A_82] {strides = array<i32>} : memref<128x128xf32, #tpu.memory_space<vmem>>, vector<1x16xf32>,
      %swap3A_84 = vector.shape_cast %swap3A_83 : vector<1x16xf32> to vector<16xf32>
      %swap3A_85 = vector.shape_cast %broadcast_in_dim3A_3 : vector<16xf32> to vector<1x16xf32>
      tpu.vector_store %arg9[%swap3A_81, %swap3A_82], %swap3A_85 {strides = array<i32>} : memref<128x128xf32, #tpu.memory_space<vmem>>, vector<1x16xf32>,
    }
    %scan3A_8 = arith.constant 128 : i32
    %add3A_9 = arith.constant 0 : i32
    %add3A_10 = arith.addi %mul3A_2, %add3A_9 : i32
    "tpu.region"() ({
      %run_scoped3A = tpu.sem_alloc : memref<!tpu.dma_semaphore, #tpu.memory_space<semaphore_mem>>
      %dma_start3A = arith.constant 0 : i32
      %dma_start3A_46 = arith.constant 0 : i32
      %dma_start3A_47 = tpu.memref_slice %arg9[%dma_start3A, %dma_start3A_46] : memref<128x128xf32, #tpu.memory_space<vmem>> -> memref<128x128xf32, #tpu.memory_space<vmem>>
      %dma_start3A_48 = arith.constant 0 : i32
      %dma_start3A_49 = tpu.memref_slice %arg6[%add3A_10, %dma_start3A_48] : memref<10112x128xf32, #tpu.memory_space<vmem_shared>> -> memref<128x128xf32, #tpu.memory_space<vmem_shared>>
      %dma_start3A_50 = arith.constant 0 : i32
      %dma_start3A_51 = tpu.memref_slice %arg6[%add3A_10, %dma_start3A_50] : memref<10112x128xf32, #tpu.memory_space<vmem_shared>> -> memref<128x128xf32, #tpu.memory_space<vmem_shared>>
      %dma_start3A_52 = arith.constant 0 : i32
      %dma_start3A_53 = arith.constant 0 : i32
      %dma_start3A_54 = tpu.memref_slice %arg9[%dma_start3A_52, %dma_start3A_53] : memref<128x128xf32, #tpu.memory_space<vmem>> -> memref<128x128xf32, #tpu.memory_space<vmem>>
      tpu.enqueue_dma source(%dma_start3A_54 : memref<128x128xf32, #tpu.memory_space<vmem>>) target(%dma_start3A_51 : memref<128x128xf32, #tpu.memory_space<vmem_shared>>) target_semaphore(%run_scoped3A : memref<!tpu.dma_semaphore, #tpu.memory_space<semaphore_mem>>)
      %dma_wait3A = arith.constant 0 : i32
      %dma_wait3A_55 = arith.constant 0 : i32
      %dma_wait3A_56 = tpu.memref_slice %arg9[%dma_wait3A, %dma_wait3A_55] : memref<128x128xf32, #tpu.memory_space<vmem>> -> memref<128x128xf32, #tpu.memory_space<vmem>>
      %dma_wait3A_57 = arith.constant 0 : i32
      %dma_wait3A_58 = tpu.memref_slice %arg6[%add3A_10, %dma_wait3A_57] : memref<10112x128xf32, #tpu.memory_space<vmem_shared>> -> memref<128x128xf32, #tpu.memory_space<vmem_shared>>
      %dma_wait3A_59 = arith.constant 0 : i32
      %dma_wait3A_60 = tpu.memref_slice %arg6[%add3A_10, %dma_wait3A_59] : memref<10112x128xf32, #tpu.memory_space<vmem_shared>> -> memref<128x128xf32, #tpu.memory_space<vmem_shared>>
      %dma_wait3A_61 = arith.constant 0 : i32
      %dma_wait3A_62 = arith.constant 0 : i32
      %dma_wait3A_63 = tpu.memref_slice %arg9[%dma_wait3A_61, %dma_wait3A_62] : memref<128x128xf32, #tpu.memory_space<vmem>> -> memref<128x128xf32, #tpu.memory_space<vmem>>
      tpu.wait_dma2 semaphore(%run_scoped3A : memref<!tpu.dma_semaphore, #tpu.memory_space<semaphore_mem>>) src(%dma_wait3A_63 : memref<128x128xf32, #tpu.memory_space<vmem>>) dst(%dma_wait3A_60 : memref<128x128xf32, #tpu.memory_space<vmem_shared>>)
      tpu.yield
    }) : () -> ()
    %add3A_11 = arith.constant 128 : i32
    %add3A_12 = arith.addi %mul3A_2, %add3A_11 : i32
    "tpu.region"() ({
      %run_scoped3A = tpu.sem_alloc : memref<!tpu.dma_semaphore, #tpu.memory_space<semaphore_mem>>
      %dma_start3A = arith.constant 0 : i32
      %dma_start3A_46 = arith.constant 0 : i32
      %dma_start3A_47 = tpu.memref_slice %arg9[%dma_start3A, %dma_start3A_46] : memref<128x128xf32, #tpu.memory_space<vmem>> -> memref<128x128xf32, #tpu.memory_space<vmem>>
      %dma_start3A_48 = arith.constant 0 : i32
      %dma_start3A_49 = tpu.memref_slice %arg6[%add3A_12, %dma_start3A_48] : memref<10112x128xf32, #tpu.memory_space<vmem_shared>> -> memref<128x128xf32, #tpu.memory_space<vmem_shared>>
      %dma_start3A_50 = arith.constant 0 : i32
      %dma_start3A_51 = tpu.memref_slice %arg6[%add3A_12, %dma_start3A_50] : memref<10112x128xf32, #tpu.memory_space<vmem_shared>> -> memref<128x128xf32, #tpu.memory_space<vmem_shared>>
      %dma_start3A_52 = arith.constant 0 : i32
      %dma_start3A_53 = arith.constant 0 : i32
      %dma_start3A_54 = tpu.memref_slice %arg9[%dma_start3A_52, %dma_start3A_53] : memref<128x128xf32, #tpu.memory_space<vmem>> -> memref<128x128xf32, #tpu.memory_space<vmem>>
      tpu.enqueue_dma source(%dma_start3A_54 : memref<128x128xf32, #tpu.memory_space<vmem>>) target(%dma_start3A_51 : memref<128x128xf32, #tpu.memory_space<vmem_shared>>) target_semaphore(%run_scoped3A : memref<!tpu.dma_semaphore, #tpu.memory_space<semaphore_mem>>)
      %dma_wait3A = arith.constant 0 : i32
      %dma_wait3A_55 = arith.constant 0 : i32
      %dma_wait3A_56 = tpu.memref_slice %arg9[%dma_wait3A, %dma_wait3A_55] : memref<128x128xf32, #tpu.memory_space<vmem>> -> memref<128x128xf32, #tpu.memory_space<vmem>>
      %dma_wait3A_57 = arith.constant 0 : i32
      %dma_wait3A_58 = tpu.memref_slice %arg6[%add3A_12, %dma_wait3A_57] : memref<10112x128xf32, #tpu.memory_space<vmem_shared>> -> memref<128x128xf32, #tpu.memory_space<vmem_shared>>
      %dma_wait3A_59 = arith.constant 0 : i32
      %dma_wait3A_60 = tpu.memref_slice %arg6[%add3A_12, %dma_wait3A_59] : memref<10112x128xf32, #tpu.memory_space<vmem_shared>> -> memref<128x128xf32, #tpu.memory_space<vmem_shared>>
      %dma_wait3A_61 = arith.constant 0 : i32
      %dma_wait3A_62 = arith.constant 0 : i32
      %dma_wait3A_63 = tpu.memref_slice %arg9[%dma_wait3A_61, %dma_wait3A_62] : memref<128x128xf32, #tpu.memory_space<vmem>> -> memref<128x128xf32, #tpu.memory_space<vmem>>
      tpu.wait_dma2 semaphore(%run_scoped3A : memref<!tpu.dma_semaphore, #tpu.memory_space<semaphore_mem>>) src(%dma_wait3A_63 : memref<128x128xf32, #tpu.memory_space<vmem>>) dst(%dma_wait3A_60 : memref<128x128xf32, #tpu.memory_space<vmem_shared>>)
      tpu.yield
    }) : () -> ()
    %add3A_13 = arith.constant 256 : i32
    %add3A_14 = arith.addi %mul3A_2, %add3A_13 : i32
    "tpu.region"() ({
      %run_scoped3A = tpu.sem_alloc : memref<!tpu.dma_semaphore, #tpu.memory_space<semaphore_mem>>
      %dma_start3A = arith.constant 0 : i32
      %dma_start3A_46 = arith.constant 0 : i32
      %dma_start3A_47 = tpu.memref_slice %arg9[%dma_start3A, %dma_start3A_46] : memref<128x128xf32, #tpu.memory_space<vmem>> -> memref<128x128xf32, #tpu.memory_space<vmem>>
      %dma_start3A_48 = arith.constant 0 : i32
      %dma_start3A_49 = tpu.memref_slice %arg6[%add3A_14, %dma_start3A_48] : memref<10112x128xf32, #tpu.memory_space<vmem_shared>> -> memref<128x128xf32, #tpu.memory_space<vmem_shared>>
      %dma_start3A_50 = arith.constant 0 : i32
      %dma_start3A_51 = tpu.memref_slice %arg6[%add3A_14, %dma_start3A_50] : memref<10112x128xf32, #tpu.memory_space<vmem_shared>> -> memref<128x128xf32, #tpu.memory_space<vmem_shared>>
      %dma_start3A_52 = arith.constant 0 : i32
      %dma_start3A_53 = arith.constant 0 : i32
      %dma_start3A_54 = tpu.memref_slice %arg9[%dma_start3A_52, %dma_start3A_53] : memref<128x128xf32, #tpu.memory_space<vmem>> -> memref<128x128xf32, #tpu.memory_space<vmem>>
      tpu.enqueue_dma source(%dma_start3A_54 : memref<128x128xf32, #tpu.memory_space<vmem>>) target(%dma_start3A_51 : memref<128x128xf32, #tpu.memory_space<vmem_shared>>) target_semaphore(%run_scoped3A : memref<!tpu.dma_semaphore, #tpu.memory_space<semaphore_mem>>)
      %dma_wait3A = arith.constant 0 : i32
      %dma_wait3A_55 = arith.constant 0 : i32
      %dma_wait3A_56 = tpu.memref_slice %arg9[%dma_wait3A, %dma_wait3A_55] : memref<128x128xf32, #tpu.memory_space<vmem>> -> memref<128x128xf32, #tpu.memory_space<vmem>>
      %dma_wait3A_57 = arith.constant 0 : i32
      %dma_wait3A_58 = tpu.memref_slice %arg6[%add3A_14, %dma_wait3A_57] : memref<10112x128xf32, #tpu.memory_space<vmem_shared>> -> memref<128x128xf32, #tpu.memory_space<vmem_shared>>
      %dma_wait3A_59 = arith.constant 0 : i32
      %dma_wait3A_60 = tpu.memref_slice %arg6[%add3A_14, %dma_wait3A_59] : memref<10112x128xf32, #tpu.memory_space<vmem_shared>> -> memref<128x128xf32, #tpu.memory_space<vmem_shared>>
      %dma_wait3A_61 = arith.constant 0 : i32
      %dma_wait3A_62 = arith.constant 0 : i32
      %dma_wait3A_63 = tpu.memref_slice %arg9[%dma_wait3A_61, %dma_wait3A_62] : memref<128x128xf32, #tpu.memory_space<vmem>> -> memref<128x128xf32, #tpu.memory_space<vmem>>
      tpu.wait_dma2 semaphore(%run_scoped3A : memref<!tpu.dma_semaphore, #tpu.memory_space<semaphore_mem>>) src(%dma_wait3A_63 : memref<128x128xf32, #tpu.memory_space<vmem>>) dst(%dma_wait3A_60 : memref<128x128xf32, #tpu.memory_space<vmem_shared>>)
      tpu.yield
    }) : () -> ()
    %add3A_15 = arith.constant 384 : i32
    %add3A_16 = arith.addi %mul3A_2, %add3A_15 : i32
    "tpu.region"() ({
      %run_scoped3A = tpu.sem_alloc : memref<!tpu.dma_semaphore, #tpu.memory_space<semaphore_mem>>
      %dma_start3A = arith.constant 0 : i32
      %dma_start3A_46 = arith.constant 0 : i32
      %dma_start3A_47 = tpu.memref_slice %arg9[%dma_start3A, %dma_start3A_46] : memref<128x128xf32, #tpu.memory_space<vmem>> -> memref<128x128xf32, #tpu.memory_space<vmem>>
      %dma_start3A_48 = arith.constant 0 : i32
      %dma_start3A_49 = tpu.memref_slice %arg6[%add3A_16, %dma_start3A_48] : memref<10112x128xf32, #tpu.memory_space<vmem_shared>> -> memref<128x128xf32, #tpu.memory_space<vmem_shared>>
      %dma_start3A_50 = arith.constant 0 : i32
      %dma_start3A_51 = tpu.memref_slice %arg6[%add3A_16, %dma_start3A_50] : memref<10112x128xf32, #tpu.memory_space<vmem_shared>> -> memref<128x128xf32, #tpu.memory_space<vmem_shared>>
      %dma_start3A_52 = arith.constant 0 : i32
      %dma_start3A_53 = arith.constant 0 : i32
      %dma_start3A_54 = tpu.memref_slice %arg9[%dma_start3A_52, %dma_start3A_53] : memref<128x128xf32, #tpu.memory_space<vmem>> -> memref<128x128xf32, #tpu.memory_space<vmem>>
      tpu.enqueue_dma source(%dma_start3A_54 : memref<128x128xf32, #tpu.memory_space<vmem>>) target(%dma_start3A_51 : memref<128x128xf32, #tpu.memory_space<vmem_shared>>) target_semaphore(%run_scoped3A : memref<!tpu.dma_semaphore, #tpu.memory_space<semaphore_mem>>)
      %dma_wait3A = arith.constant 0 : i32
      %dma_wait3A_55 = arith.constant 0 : i32
      %dma_wait3A_56 = tpu.memref_slice %arg9[%dma_wait3A, %dma_wait3A_55] : memref<128x128xf32, #tpu.memory_space<vmem>> -> memref<128x128xf32, #tpu.memory_space<vmem>>
      %dma_wait3A_57 = arith.constant 0 : i32
      %dma_wait3A_58 = tpu.memref_slice %arg6[%add3A_16, %dma_wait3A_57] : memref<10112x128xf32, #tpu.memory_space<vmem_shared>> -> memref<128x128xf32, #tpu.memory_space<vmem_shared>>
      %dma_wait3A_59 = arith.constant 0 : i32
      %dma_wait3A_60 = tpu.memref_slice %arg6[%add3A_16, %dma_wait3A_59] : memref<10112x128xf32, #tpu.memory_space<vmem_shared>> -> memref<128x128xf32, #tpu.memory_space<vmem_shared>>
      %dma_wait3A_61 = arith.constant 0 : i32
      %dma_wait3A_62 = arith.constant 0 : i32
      %dma_wait3A_63 = tpu.memref_slice %arg9[%dma_wait3A_61, %dma_wait3A_62] : memref<128x128xf32, #tpu.memory_space<vmem>> -> memref<128x128xf32, #tpu.memory_space<vmem>>
      tpu.wait_dma2 semaphore(%run_scoped3A : memref<!tpu.dma_semaphore, #tpu.memory_space<semaphore_mem>>) src(%dma_wait3A_63 : memref<128x128xf32, #tpu.memory_space<vmem>>) dst(%dma_wait3A_60 : memref<128x128xf32, #tpu.memory_space<vmem_shared>>)
      tpu.yield
    }) : () -> ()
    %add3A_17 = arith.constant 512 : i32
    %add3A_18 = arith.addi %mul3A_2, %add3A_17 : i32
    "tpu.region"() ({
      %run_scoped3A = tpu.sem_alloc : memref<!tpu.dma_semaphore, #tpu.memory_space<semaphore_mem>>
      %dma_start3A = arith.constant 0 : i32
      %dma_start3A_46 = arith.constant 0 : i32
      %dma_start3A_47 = tpu.memref_slice %arg9[%dma_start3A, %dma_start3A_46] : memref<128x128xf32, #tpu.memory_space<vmem>> -> memref<120x128xf32, #tpu.memory_space<vmem>>
      %dma_start3A_48 = arith.constant 0 : i32
      %dma_start3A_49 = tpu.memref_slice %arg6[%add3A_18, %dma_start3A_48] : memref<10112x128xf32, #tpu.memory_space<vmem_shared>> -> memref<120x128xf32, #tpu.memory_space<vmem_shared>>
      %dma_start3A_50 = arith.constant 0 : i32
      %dma_start3A_51 = tpu.memref_slice %arg6[%add3A_18, %dma_start3A_50] : memref<10112x128xf32, #tpu.memory_space<vmem_shared>> -> memref<120x128xf32, #tpu.memory_space<vmem_shared>>
      %dma_start3A_52 = arith.constant 0 : i32
      %dma_start3A_53 = arith.constant 0 : i32
      %dma_start3A_54 = tpu.memref_slice %arg9[%dma_start3A_52, %dma_start3A_53] : memref<128x128xf32, #tpu.memory_space<vmem>> -> memref<120x128xf32, #tpu.memory_space<vmem>>
      tpu.enqueue_dma source(%dma_start3A_54 : memref<120x128xf32, #tpu.memory_space<vmem>>) target(%dma_start3A_51 : memref<120x128xf32, #tpu.memory_space<vmem_shared>>) target_semaphore(%run_scoped3A : memref<!tpu.dma_semaphore, #tpu.memory_space<semaphore_mem>>)
      %dma_wait3A = arith.constant 0 : i32
      %dma_wait3A_55 = arith.constant 0 : i32
      %dma_wait3A_56 = tpu.memref_slice %arg9[%dma_wait3A, %dma_wait3A_55] : memref<128x128xf32, #tpu.memory_space<vmem>> -> memref<120x128xf32, #tpu.memory_space<vmem>>
      %dma_wait3A_57 = arith.constant 0 : i32
      %dma_wait3A_58 = tpu.memref_slice %arg6[%add3A_18, %dma_wait3A_57] : memref<10112x128xf32, #tpu.memory_space<vmem_shared>> -> memref<120x128xf32, #tpu.memory_space<vmem_shared>>
      %dma_wait3A_59 = arith.constant 0 : i32
      %dma_wait3A_60 = tpu.memref_slice %arg6[%add3A_18, %dma_wait3A_59] : memref<10112x128xf32, #tpu.memory_space<vmem_shared>> -> memref<120x128xf32, #tpu.memory_space<vmem_shared>>
      %dma_wait3A_61 = arith.constant 0 : i32
      %dma_wait3A_62 = arith.constant 0 : i32
      %dma_wait3A_63 = tpu.memref_slice %arg9[%dma_wait3A_61, %dma_wait3A_62] : memref<128x128xf32, #tpu.memory_space<vmem>> -> memref<120x128xf32, #tpu.memory_space<vmem>>
      tpu.wait_dma2 semaphore(%run_scoped3A : memref<!tpu.dma_semaphore, #tpu.memory_space<semaphore_mem>>) src(%dma_wait3A_63 : memref<120x128xf32, #tpu.memory_space<vmem>>) dst(%dma_wait3A_60 : memref<120x128xf32, #tpu.memory_space<vmem_shared>>)
      tpu.yield
    }) : () -> ()
    %barrier3A = arith.constant 0 : index
    tpu.barrier barrier_id(%barrier3A)
    %scan3A_19 = arith.constant 0 : i32
    %scan3A_20 = arith.constant 0 : i32
    %scan3A_21 = arith.constant 79 : i32
    %scan3A_22 = arith.addi %scan3A_20, %scan3A_21 : i32
    %scan3A_23 = arith.constant 1 : i32
    scf.for %scan3A_46 = %scan3A_20 to %scan3A_22 step %scan3A_23  : i32 {
      %mul3A_47 = arith.constant 79 : i32
      %mul3A_48 = arith.muli %add3A, %mul3A_47 : i32
      %add3A_49 = arith.addi %mul3A_48, %scan3A_46 : i32
      %mul3A_50 = arith.constant 128 : i32
      %mul3A_51 = arith.muli %add3A_49, %mul3A_50 : i32
      "tpu.region"() ({
        %run_scoped3A = tpu.sem_alloc : memref<!tpu.dma_semaphore, #tpu.memory_space<semaphore_mem>>
        %dma_start3A_56 = tpu.memref_slice %arg3[%mul3A_51] : memref<323584xi32, #tpu.memory_space<hbm>> -> memref<128xi32, #tpu.memory_space<hbm>>
        %dma_start3A_57 = tpu.memref_slice %arg3[%mul3A_51] : memref<323584xi32, #tpu.memory_space<hbm>> -> memref<128xi32, #tpu.memory_space<hbm>>
        tpu.enqueue_dma source(%dma_start3A_57 : memref<128xi32, #tpu.memory_space<hbm>>) target(%arg7 : memref<128xi32, #tpu.memory_space<vmem>>) target_semaphore(%run_scoped3A : memref<!tpu.dma_semaphore, #tpu.memory_space<semaphore_mem>>)
        %dma_wait3A_58 = tpu.memref_slice %arg3[%mul3A_51] : memref<323584xi32, #tpu.memory_space<hbm>> -> memref<128xi32, #tpu.memory_space<hbm>>
        %dma_wait3A_59 = tpu.memref_slice %arg3[%mul3A_51] : memref<323584xi32, #tpu.memory_space<hbm>> -> memref<128xi32, #tpu.memory_space<hbm>>
        tpu.wait_dma2 semaphore(%run_scoped3A : memref<!tpu.dma_semaphore, #tpu.memory_space<semaphore_mem>>) src(%dma_wait3A_59 : memref<128xi32, #tpu.memory_space<hbm>>) dst(%arg7 : memref<128xi32, #tpu.memory_space<vmem>>)
        tpu.yield
      }) : () -> ()
      "tpu.region"() ({
        %run_scoped3A = tpu.sem_alloc : memref<!tpu.dma_semaphore, #tpu.memory_space<semaphore_mem>>
        %dma_start3A_56 = tpu.memref_slice %arg4[%mul3A_51] : memref<323584xi32, #tpu.memory_space<hbm>> -> memref<128xi32, #tpu.memory_space<hbm>>
        %dma_start3A_57 = tpu.memref_slice %arg4[%mul3A_51] : memref<323584xi32, #tpu.memory_space<hbm>> -> memref<128xi32, #tpu.memory_space<hbm>>
        tpu.enqueue_dma source(%dma_start3A_57 : memref<128xi32, #tpu.memory_space<hbm>>) target(%arg8 : memref<128xi32, #tpu.memory_space<vmem>>) target_semaphore(%run_scoped3A : memref<!tpu.dma_semaphore, #tpu.memory_space<semaphore_mem>>)
        %dma_wait3A_58 = tpu.memref_slice %arg4[%mul3A_51] : memref<323584xi32, #tpu.memory_space<hbm>> -> memref<128xi32, #tpu.memory_space<hbm>>
        %dma_wait3A_59 = tpu.memref_slice %arg4[%mul3A_51] : memref<323584xi32, #tpu.memory_space<hbm>> -> memref<128xi32, #tpu.memory_space<hbm>>
        tpu.wait_dma2 semaphore(%run_scoped3A : memref<!tpu.dma_semaphore, #tpu.memory_space<semaphore_mem>>) src(%dma_wait3A_59 : memref<128xi32, #tpu.memory_space<hbm>>) dst(%arg8 : memref<128xi32, #tpu.memory_space<vmem>>)
        tpu.yield
      }) : () -> ()
      %dma_start3A = arith.constant 0 : i32
      %dma_start3A_52 = arith.constant 0 : i32
      %dma_start3A_53 = tpu.memref_slice %arg2[%dma_start3A, %dma_start3A_52] : memref<10112x128xf32, #tpu.memory_space<hbm>> -> memref<10112x128xf32, #tpu.memory_space<hbm>>
      tpu.enqueue_indirect_dma source(%dma_start3A_53 : memref<10112x128xf32, #tpu.memory_space<hbm>>) target(%arg9 : memref<128x128xf32, #tpu.memory_space<vmem>>) offsets(%arg7 : memref<128xi32, #tpu.memory_space<vmem>>) semaphore(%arg10 : memref<!tpu.dma_semaphore, #tpu.memory_space<semaphore_mem>>)
      %dma_wait3A = arith.constant 0 : i32
      %dma_wait3A_54 = arith.constant 0 : i32
      %dma_wait3A_55 = tpu.memref_slice %arg2[%dma_wait3A, %dma_wait3A_54] : memref<10112x128xf32, #tpu.memory_space<hbm>> -> memref<10112x128xf32, #tpu.memory_space<hbm>>
      tpu.wait_indirect_dma semaphore(%arg10 : memref<!tpu.dma_semaphore, #tpu.memory_space<semaphore_mem>>) src(%dma_wait3A_55 : memref<10112x128xf32, #tpu.memory_space<hbm>>) dst(%arg9 : memref<128x128xf32, #tpu.memory_space<vmem>>)
      "tpu.region"() ({
        %run_scoped3A = tpu.sem_alloc : memref<!tpu.dma_semaphore, #tpu.memory_space<semaphore_mem>>
        %dma_start3A_56 = arith.constant 0 : i32
        %dma_start3A_57 = arith.constant 0 : i32
        %dma_start3A_58 = tpu.memref_slice %arg6[%dma_start3A_56, %dma_start3A_57] : memref<10112x128xf32, #tpu.memory_space<vmem_shared>> -> memref<10112x128xf32, #tpu.memory_space<vmem_shared>>
        tpu.enqueue_indirect_dma source(%arg9 : memref<128x128xf32, #tpu.memory_space<vmem>>) target(%dma_start3A_58 : memref<10112x128xf32, #tpu.memory_space<vmem_shared>>) offsets(%arg8 : memref<128xi32, #tpu.memory_space<vmem>>) semaphore(%run_scoped3A : memref<!tpu.dma_semaphore, #tpu.memory_space<semaphore_mem>>) {add = true}
        %dma_wait3A_59 = arith.constant 0 : i32
        %dma_wait3A_60 = arith.constant 0 : i32
        %dma_wait3A_61 = tpu.memref_slice %arg6[%dma_wait3A_59, %dma_wait3A_60] : memref<10112x128xf32, #tpu.memory_space<vmem_shared>> -> memref<10112x128xf32, #tpu.memory_space<vmem_shared>>
        tpu.wait_indirect_dma semaphore(%run_scoped3A : memref<!tpu.dma_semaphore, #tpu.memory_space<semaphore_mem>>) src(%arg9 : memref<128x128xf32, #tpu.memory_space<vmem>>) dst(%dma_wait3A_61 : memref<10112x128xf32, #tpu.memory_space<vmem_shared>>)
        tpu.yield
      }) : () -> ()
    }
    %scan3A_24 = arith.constant 79 : i32
    %barrier3A_25 = arith.constant 0 : index
    tpu.barrier barrier_id(%barrier3A_25)
    %add3A_26 = arith.constant 0 : i32
    %add3A_27 = arith.addi %mul3A_2, %add3A_26 : i32
    %add3A_28 = arith.constant 0 : i32
    %add3A_29 = arith.addi %mul3A_2, %add3A_28 : i32
    "tpu.region"() ({
      %run_scoped3A = tpu.sem_alloc : memref<!tpu.dma_semaphore, #tpu.memory_space<semaphore_mem>>
      %dma_start3A = arith.constant 0 : i32
      %dma_start3A_46 = tpu.memref_slice %arg5[%arg0, %add3A_29, %dma_start3A] : memref<2x10112x128xf32, #tpu.memory_space<hbm>> -> memref<1x128x128xf32, #tpu.memory_space<hbm>>
      %dma_start3A_47 = tpu.memref_squeeze %dma_start3A_46 : memref<1x128x128xf32, #tpu.memory_space<hbm>> -> memref<128x128xf32, #tpu.memory_space<hbm>>
      %dma_start3A_48 = arith.constant 0 : i32
      %dma_start3A_49 = tpu.memref_slice %arg6[%add3A_27, %dma_start3A_48] : memref<10112x128xf32, #tpu.memory_space<vmem_shared>> -> memref<128x128xf32, #tpu.memory_space<vmem_shared>>
      tpu.enqueue_dma source(%dma_start3A_49 : memref<128x128xf32, #tpu.memory_space<vmem_shared>>) target(%dma_start3A_47 : memref<128x128xf32, #tpu.memory_space<hbm>>) target_semaphore(%run_scoped3A : memref<!tpu.dma_semaphore, #tpu.memory_space<semaphore_mem>>)
      %dma_wait3A = arith.constant 0 : i32
      %dma_wait3A_50 = tpu.memref_slice %arg5[%arg0, %add3A_29, %dma_wait3A] : memref<2x10112x128xf32, #tpu.memory_space<hbm>> -> memref<1x128x128xf32, #tpu.memory_space<hbm>>
      %dma_wait3A_51 = tpu.memref_squeeze %dma_wait3A_50 : memref<1x128x128xf32, #tpu.memory_space<hbm>> -> memref<128x128xf32, #tpu.memory_space<hbm>>
      %dma_wait3A_52 = arith.constant 0 : i32
      %dma_wait3A_53 = tpu.memref_slice %arg6[%add3A_27, %dma_wait3A_52] : memref<10112x128xf32, #tpu.memory_space<vmem_shared>> -> memref<128x128xf32, #tpu.memory_space<vmem_shared>>
      tpu.wait_dma2 semaphore(%run_scoped3A : memref<!tpu.dma_semaphore, #tpu.memory_space<semaphore_mem>>) src(%dma_wait3A_53 : memref<128x128xf32, #tpu.memory_space<vmem_shared>>) dst(%dma_wait3A_51 : memref<128x128xf32, #tpu.memory_space<hbm>>)
      tpu.yield
    }) : () -> ()
    %add3A_30 = arith.constant 128 : i32
    %add3A_31 = arith.addi %mul3A_2, %add3A_30 : i32
    %add3A_32 = arith.constant 128 : i32
    %add3A_33 = arith.addi %mul3A_2, %add3A_32 : i32
    "tpu.region"() ({
      %run_scoped3A = tpu.sem_alloc : memref<!tpu.dma_semaphore, #tpu.memory_space<semaphore_mem>>
      %dma_start3A = arith.constant 0 : i32
      %dma_start3A_46 = tpu.memref_slice %arg5[%arg0, %add3A_33, %dma_start3A] : memref<2x10112x128xf32, #tpu.memory_space<hbm>> -> memref<1x128x128xf32, #tpu.memory_space<hbm>>
      %dma_start3A_47 = tpu.memref_squeeze %dma_start3A_46 : memref<1x128x128xf32, #tpu.memory_space<hbm>> -> memref<128x128xf32, #tpu.memory_space<hbm>>
      %dma_start3A_48 = arith.constant 0 : i32
      %dma_start3A_49 = tpu.memref_slice %arg6[%add3A_31, %dma_start3A_48] : memref<10112x128xf32, #tpu.memory_space<vmem_shared>> -> memref<128x128xf32, #tpu.memory_space<vmem_shared>>
      tpu.enqueue_dma source(%dma_start3A_49 : memref<128x128xf32, #tpu.memory_space<vmem_shared>>) target(%dma_start3A_47 : memref<128x128xf32, #tpu.memory_space<hbm>>) target_semaphore(%run_scoped3A : memref<!tpu.dma_semaphore, #tpu.memory_space<semaphore_mem>>)
      %dma_wait3A = arith.constant 0 : i32
      %dma_wait3A_50 = tpu.memref_slice %arg5[%arg0, %add3A_33, %dma_wait3A] : memref<2x10112x128xf32, #tpu.memory_space<hbm>> -> memref<1x128x128xf32, #tpu.memory_space<hbm>>
      %dma_wait3A_51 = tpu.memref_squeeze %dma_wait3A_50 : memref<1x128x128xf32, #tpu.memory_space<hbm>> -> memref<128x128xf32, #tpu.memory_space<hbm>>
      %dma_wait3A_52 = arith.constant 0 : i32
      %dma_wait3A_53 = tpu.memref_slice %arg6[%add3A_31, %dma_wait3A_52] : memref<10112x128xf32, #tpu.memory_space<vmem_shared>> -> memref<128x128xf32, #tpu.memory_space<vmem_shared>>
      tpu.wait_dma2 semaphore(%run_scoped3A : memref<!tpu.dma_semaphore, #tpu.memory_space<semaphore_mem>>) src(%dma_wait3A_53 : memref<128x128xf32, #tpu.memory_space<vmem_shared>>) dst(%dma_wait3A_51 : memref<128x128xf32, #tpu.memory_space<hbm>>)
      tpu.yield
    }) : () -> ()
    %add3A_34 = arith.constant 256 : i32
    %add3A_35 = arith.addi %mul3A_2, %add3A_34 : i32
    %add3A_36 = arith.constant 256 : i32
    %add3A_37 = arith.addi %mul3A_2, %add3A_36 : i32
    "tpu.region"() ({
      %run_scoped3A = tpu.sem_alloc : memref<!tpu.dma_semaphore, #tpu.memory_space<semaphore_mem>>
      %dma_start3A = arith.constant 0 : i32
      %dma_start3A_46 = tpu.memref_slice %arg5[%arg0, %add3A_37, %dma_start3A] : memref<2x10112x128xf32, #tpu.memory_space<hbm>> -> memref<1x128x128xf32, #tpu.memory_space<hbm>>
      %dma_start3A_47 = tpu.memref_squeeze %dma_start3A_46 : memref<1x128x128xf32, #tpu.memory_space<hbm>> -> memref<128x128xf32, #tpu.memory_space<hbm>>
      %dma_start3A_48 = arith.constant 0 : i32
      %dma_start3A_49 = tpu.memref_slice %arg6[%add3A_35, %dma_start3A_48] : memref<10112x128xf32, #tpu.memory_space<vmem_shared>> -> memref<128x128xf32, #tpu.memory_space<vmem_shared>>
      tpu.enqueue_dma source(%dma_start3A_49 : memref<128x128xf32, #tpu.memory_space<vmem_shared>>) target(%dma_start3A_47 : memref<128x128xf32, #tpu.memory_space<hbm>>) target_semaphore(%run_scoped3A : memref<!tpu.dma_semaphore, #tpu.memory_space<semaphore_mem>>)
      %dma_wait3A = arith.constant 0 : i32
      %dma_wait3A_50 = tpu.memref_slice %arg5[%arg0, %add3A_37, %dma_wait3A] : memref<2x10112x128xf32, #tpu.memory_space<hbm>> -> memref<1x128x128xf32, #tpu.memory_space<hbm>>
      %dma_wait3A_51 = tpu.memref_squeeze %dma_wait3A_50 : memref<1x128x128xf32, #tpu.memory_space<hbm>> -> memref<128x128xf32, #tpu.memory_space<hbm>>
      %dma_wait3A_52 = arith.constant 0 : i32
      %dma_wait3A_53 = tpu.memref_slice %arg6[%add3A_35, %dma_wait3A_52] : memref<10112x128xf32, #tpu.memory_space<vmem_shared>> -> memref<128x128xf32, #tpu.memory_space<vmem_shared>>
      tpu.wait_dma2 semaphore(%run_scoped3A : memref<!tpu.dma_semaphore, #tpu.memory_space<semaphore_mem>>) src(%dma_wait3A_53 : memref<128x128xf32, #tpu.memory_space<vmem_shared>>) dst(%dma_wait3A_51 : memref<128x128xf32, #tpu.memory_space<hbm>>)
      tpu.yield
    }) : () -> ()
    %add3A_38 = arith.constant 384 : i32
    %add3A_39 = arith.addi %mul3A_2, %add3A_38 : i32
    %add3A_40 = arith.constant 384 : i32
    %add3A_41 = arith.addi %mul3A_2, %add3A_40 : i32
    "tpu.region"() ({
      %run_scoped3A = tpu.sem_alloc : memref<!tpu.dma_semaphore, #tpu.memory_space<semaphore_mem>>
      %dma_start3A = arith.constant 0 : i32
      %dma_start3A_46 = tpu.memref_slice %arg5[%arg0, %add3A_41, %dma_start3A] : memref<2x10112x128xf32, #tpu.memory_space<hbm>> -> memref<1x128x128xf32, #tpu.memory_space<hbm>>
      %dma_start3A_47 = tpu.memref_squeeze %dma_start3A_46 : memref<1x128x128xf32, #tpu.memory_space<hbm>> -> memref<128x128xf32, #tpu.memory_space<hbm>>
      %dma_start3A_48 = arith.constant 0 : i32
      %dma_start3A_49 = tpu.memref_slice %arg6[%add3A_39, %dma_start3A_48] : memref<10112x128xf32, #tpu.memory_space<vmem_shared>> -> memref<128x128xf32, #tpu.memory_space<vmem_shared>>
      tpu.enqueue_dma source(%dma_start3A_49 : memref<128x128xf32, #tpu.memory_space<vmem_shared>>) target(%dma_start3A_47 : memref<128x128xf32, #tpu.memory_space<hbm>>) target_semaphore(%run_scoped3A : memref<!tpu.dma_semaphore, #tpu.memory_space<semaphore_mem>>)
      %dma_wait3A = arith.constant 0 : i32
      %dma_wait3A_50 = tpu.memref_slice %arg5[%arg0, %add3A_41, %dma_wait3A] : memref<2x10112x128xf32, #tpu.memory_space<hbm>> -> memref<1x128x128xf32, #tpu.memory_space<hbm>>
      %dma_wait3A_51 = tpu.memref_squeeze %dma_wait3A_50 : memref<1x128x128xf32, #tpu.memory_space<hbm>> -> memref<128x128xf32, #tpu.memory_space<hbm>>
      %dma_wait3A_52 = arith.constant 0 : i32
      %dma_wait3A_53 = tpu.memref_slice %arg6[%add3A_39, %dma_wait3A_52] : memref<10112x128xf32, #tpu.memory_space<vmem_shared>> -> memref<128x128xf32, #tpu.memory_space<vmem_shared>>
      tpu.wait_dma2 semaphore(%run_scoped3A : memref<!tpu.dma_semaphore, #tpu.memory_space<semaphore_mem>>) src(%dma_wait3A_53 : memref<128x128xf32, #tpu.memory_space<vmem_shared>>) dst(%dma_wait3A_51 : memref<128x128xf32, #tpu.memory_space<hbm>>)
      tpu.yield
    }) : () -> ()
    %add3A_42 = arith.constant 512 : i32
    %add3A_43 = arith.addi %mul3A_2, %add3A_42 : i32
    %add3A_44 = arith.constant 512 : i32
    %add3A_45 = arith.addi %mul3A_2, %add3A_44 : i32
    "tpu.region"() ({
      %run_scoped3A = tpu.sem_alloc : memref<!tpu.dma_semaphore, #tpu.memory_space<semaphore_mem>>
      %dma_start3A = arith.constant 0 : i32
      %dma_start3A_46 = tpu.memref_slice %arg5[%arg0, %add3A_45, %dma_start3A] : memref<2x10112x128xf32, #tpu.memory_space<hbm>> -> memref<1x120x128xf32, #tpu.memory_space<hbm>>
      %dma_start3A_47 = tpu.memref_squeeze %dma_start3A_46 : memref<1x120x128xf32, #tpu.memory_space<hbm>> -> memref<120x128xf32, #tpu.memory_space<hbm>>
      %dma_start3A_48 = arith.constant 0 : i32
      %dma_start3A_49 = tpu.memref_slice %arg6[%add3A_43, %dma_start3A_48] : memref<10112x128xf32, #tpu.memory_space<vmem_shared>> -> memref<120x128xf32, #tpu.memory_space<vmem_shared>>
      tpu.enqueue_dma source(%dma_start3A_49 : memref<120x128xf32, #tpu.memory_space<vmem_shared>>) target(%dma_start3A_47 : memref<120x128xf32, #tpu.memory_space<hbm>>) target_semaphore(%run_scoped3A : memref<!tpu.dma_semaphore, #tpu.memory_space<semaphore_mem>>)
      %dma_wait3A = arith.constant 0 : i32
      %dma_wait3A_50 = tpu.memref_slice %arg5[%arg0, %add3A_45, %dma_wait3A] : memref<2x10112x128xf32, #tpu.memory_space<hbm>> -> memref<1x120x128xf32, #tpu.memory_space<hbm>>
      %dma_wait3A_51 = tpu.memref_squeeze %dma_wait3A_50 : memref<1x120x128xf32, #tpu.memory_space<hbm>> -> memref<120x128xf32, #tpu.memory_space<hbm>>
      %dma_wait3A_52 = arith.constant 0 : i32
      %dma_wait3A_53 = tpu.memref_slice %arg6[%add3A_43, %dma_wait3A_52] : memref<10112x128xf32, #tpu.memory_space<vmem_shared>> -> memref<120x128xf32, #tpu.memory_space<vmem_shared>>
      tpu.wait_dma2 semaphore(%run_scoped3A : memref<!tpu.dma_semaphore, #tpu.memory_space<semaphore_mem>>) src(%dma_wait3A_53 : memref<120x128xf32, #tpu.memory_space<vmem_shared>>) dst(%dma_wait3A_51 : memref<120x128xf32, #tpu.memory_space<hbm>>)
      tpu.yield
    }) : () -> ()
    return
  }
}

#map = affine_map<(d0, d1) -> (0, 0)>
#map1 = affine_map<(d0, d1) -> (0)>
#map2 = affine_map<(d0, d1) -> (0, 0, 0)>
module attributes {stable_mosaic.version = 14 : i64} {
  func.func @body(%arg0: i32, %arg1: i32, %arg2: memref<10112x128xf32, #tpu.memory_space<hbm>>, %arg3: memref<323584xi32, #tpu.memory_space<hbm>>, %arg4: memref<323584xi32, #tpu.memory_space<hbm>>, %arg5: memref<2x10112x128xf32, #tpu.memory_space<hbm>>, %arg6: memref<10112x128xf32, #tpu.memory_space<vmem_shared>>, %arg7: memref<128xi32, #tpu.memory_space<vmem>>, %arg8: memref<128xi32, #tpu.memory_space<vmem>>, %arg9: memref<128x128xf32, #tpu.memory_space<vmem>>, %arg10: memref<!tpu.dma_semaphore, #tpu.memory_space<semaphore_mem>>) attributes {dimension_semantics = [#tpu.dimension_semantics<core_parallel>, #tpu.dimension_semantics<subcore_parallel>], iteration_bounds = array<i64: 2, 16>, scalar_prefetch = 0 : i64, scratch_operands = 5 : i64, tpu.core_type = #tpu.core_type<sc_vector_subcore>, window_params = [{transform_indices = #map}, {transform_indices = #map1}, {transform_indices = #map1}, {transform_indices = #map2}]} {
    %mul3A = arith.constant 2 : i32
    %mul3A_0 = arith.muli %arg1, %mul3A : i32
    %add3A = arith.addi %mul3A_0, %arg0 : i32
    %mul3A_1 = arith.constant 632 : i32
    %mul3A_2 = arith.muli %arg1, %mul3A_1 : i32
    %broadcast_in_dim3A = arith.constant 0.000000e+00 : f32
    %broadcast_in_dim3A_3 = vector.broadcast %broadcast_in_dim3A : f32 to vector<16xf32>
    %scan3A = arith.constant 0 : i32
    %scan3A_4 = arith.constant 0 : i32
    %scan3A_5 = arith.constant 128 : i32
    %scan3A_6 = arith.addi %scan3A_4, %scan3A_5 : i32
    %scan3A_7 = arith.constant 1 : i32
    scf.for %scan3A_46 = %scan3A_4 to %scan3A_6 step %scan3A_7  : i32 {
      %swap3A = arith.index_cast %scan3A_46 : i32 to index
      %swap3A_47 = arith.constant 0 : index
      %swap3A_48 = tpu.vector_load %arg9[%swap3A, %swap3A_47] {strides = array<i32>} : memref<128x128xf32, #tpu.memory_space<vmem>>, vector<1x16xf32>,
      %swap3A_49 = vector.shape_cast %swap3A_48 : vector<1x16xf32> to vector<16xf32>
      %swap3A_50 = vector.shape_cast %broadcast_in_dim3A_3 : vector<16xf32> to vector<1x16xf32>
      tpu.vector_store %arg9[%swap3A, %swap3A_47], %swap3A_50 {strides = array<i32>} : memref<128x128xf32, #tpu.memory_space<vmem>>, vector<1x16xf32>,
      %swap3A_51 = arith.index_cast %scan3A_46 : i32 to index
      %swap3A_52 = arith.constant 16 : index
      %swap3A_53 = tpu.vector_load %arg9[%swap3A_51, %swap3A_52] {strides = array<i32>} : memref<128x128xf32, #tpu.memory_space<vmem>>, vector<1x16xf32>,
      %swap3A_54 = vector.shape_cast %swap3A_53 : vector<1x16xf32> to vector<16xf32>
      %swap3A_55 = vector.shape_cast %broadcast_in_dim3A_3 : vector<16xf32> to vector<1x16xf32>
      tpu.vector_store %arg9[%swap3A_51, %swap3A_52], %swap3A_55 {strides = array<i32>} : memref<128x128xf32, #tpu.memory_space<vmem>>, vector<1x16xf32>,
      %swap3A_56 = arith.index_cast %scan3A_46 : i32 to index
      %swap3A_57 = arith.constant 32 : index
      %swap3A_58 = tpu.vector_load %arg9[%swap3A_56, %swap3A_57] {strides = array<i32>} : memref<128x128xf32, #tpu.memory_space<vmem>>, vector<1x16xf32>,
      %swap3A_59 = vector.shape_cast %swap3A_58 : vector<1x16xf32> to vector<16xf32>
      %swap3A_60 = vector.shape_cast %broadcast_in_dim3A_3 : vector<16xf32> to vector<1x16xf32>
      tpu.vector_store %arg9[%swap3A_56, %swap3A_57], %swap3A_60 {strides = array<i32>} : memref<128x128xf32, #tpu.memory_space<vmem>>, vector<1x16xf32>,
      %swap3A_61 = arith.index_cast %scan3A_46 : i32 to index
      %swap3A_62 = arith.constant 48 : index
      %swap3A_63 = tpu.vector_load %arg9[%swap3A_61, %swap3A_62] {strides = array<i32>} : memref<128x128xf32, #tpu.memory_space<vmem>>, vector<1x16xf32>,
      %swap3A_64 = vector.shape_cast %swap3A_63 : vector<1x16xf32> to vector<16xf32>
      %swap3A_65 = vector.shape_cast %broadcast_in_dim3A_3 : vector<16xf32> to vector<1x16xf32>
      tpu.vector_store %arg9[%swap3A_61, %swap3A_62], %swap3A_65 {strides = array<i32>} : memref<128x128xf32, #tpu.memory_space<vmem>>, vector<1x16xf32>,
      %swap3A_66 = arith.index_cast %scan3A_46 : i32 to index
      %swap3A_67 = arith.constant 64 : index
      %swap3A_68 = tpu.vector_load %arg9[%swap3A_66, %swap3A_67] {strides = array<i32>} : memref<128x128xf32, #tpu.memory_space<vmem>>, vector<1x16xf32>,
      %swap3A_69 = vector.shape_cast %swap3A_68 : vector<1x16xf32> to vector<16xf32>
      %swap3A_70 = vector.shape_cast %broadcast_in_dim3A_3 : vector<16xf32> to vector<1x16xf32>
      tpu.vector_store %arg9[%swap3A_66, %swap3A_67], %swap3A_70 {strides = array<i32>} : memref<128x128xf32, #tpu.memory_space<vmem>>, vector<1x16xf32>,
      %swap3A_71 = arith.index_cast %scan3A_46 : i32 to index
      %swap3A_72 = arith.constant 80 : index
      %swap3A_73 = tpu.vector_load %arg9[%swap3A_71, %swap3A_72] {strides = array<i32>} : memref<128x128xf32, #tpu.memory_space<vmem>>, vector<1x16xf32>,
      %swap3A_74 = vector.shape_cast %swap3A_73 : vector<1x16xf32> to vector<16xf32>
      %swap3A_75 = vector.shape_cast %broadcast_in_dim3A_3 : vector<16xf32> to vector<1x16xf32>
      tpu.vector_store %arg9[%swap3A_71, %swap3A_72], %swap3A_75 {strides = array<i32>} : memref<128x128xf32, #tpu.memory_space<vmem>>, vector<1x16xf32>,
      %swap3A_76 = arith.index_cast %scan3A_46 : i32 to index
      %swap3A_77 = arith.constant 96 : index
      %swap3A_78 = tpu.vector_load %arg9[%swap3A_76, %swap3A_77] {strides = array<i32>} : memref<128x128xf32, #tpu.memory_space<vmem>>, vector<1x16xf32>,
      %swap3A_79 = vector.shape_cast %swap3A_78 : vector<1x16xf32> to vector<16xf32>
      %swap3A_80 = vector.shape_cast %broadcast_in_dim3A_3 : vector<16xf32> to vector<1x16xf32>
      tpu.vector_store %arg9[%swap3A_76, %swap3A_77], %swap3A_80 {strides = array<i32>} : memref<128x128xf32, #tpu.memory_space<vmem>>, vector<1x16xf32>,
      %swap3A_81 = arith.index_cast %scan3A_46 : i32 to index
      %swap3A_82 = arith.constant 112 : index
      %swap3A_83 = tpu.vector_load %arg9[%swap3A_81, %swap3A_82] {strides = array<i32>} : memref<128x128xf32, #tpu.memory_space<vmem>>, vector<1x16xf32>,
      %swap3A_84 = vector.shape_cast %swap3A_83 : vector<1x16xf32> to vector<16xf32>
      %swap3A_85 = vector.shape_cast %broadcast_in_dim3A_3 : vector<16xf32> to vector<1x16xf32>
      tpu.vector_store %arg9[%swap3A_81, %swap3A_82], %swap3A_85 {strides = array<i32>} : memref<128x128xf32, #tpu.memory_space<vmem>>, vector<1x16xf32>,
    }
    %scan3A_8 = arith.constant 128 : i32
    %add3A_9 = arith.constant 0 : i32
    %add3A_10 = arith.addi %mul3A_2, %add3A_9 : i32
    "tpu.region"() ({
      %run_scoped3A = tpu.sem_alloc : memref<!tpu.dma_semaphore, #tpu.memory_space<semaphore_mem>>
      %dma_start3A = arith.constant 0 : i32
      %dma_start3A_46 = arith.constant 0 : i32
      %dma_start3A_47 = tpu.memref_slice %arg9[%dma_start3A, %dma_start3A_46] : memref<128x128xf32, #tpu.memory_space<vmem>> -> memref<128x128xf32, #tpu.memory_space<vmem>>
      %dma_start3A_48 = arith.constant 0 : i32
      %dma_start3A_49 = tpu.memref_slice %arg6[%add3A_10, %dma_start3A_48] : memref<10112x128xf32, #tpu.memory_space<vmem_shared>> -> memref<128x128xf32, #tpu.memory_space<vmem_shared>>
      %dma_start3A_50 = arith.constant 0 : i32
      %dma_start3A_51 = tpu.memref_slice %arg6[%add3A_10, %dma_start3A_50] : memref<10112x128xf32, #tpu.memory_space<vmem_shared>> -> memref<128x128xf32, #tpu.memory_space<vmem_shared>>
      %dma_start3A_52 = arith.constant 0 : i32
      %dma_start3A_53 = arith.constant 0 : i32
      %dma_start3A_54 = tpu.memref_slice %arg9[%dma_start3A_52, %dma_start3A_53] : memref<128x128xf32, #tpu.memory_space<vmem>> -> memref<128x128xf32, #tpu.memory_space<vmem>>
      tpu.enqueue_dma source(%dma_start3A_54 : memref<128x128xf32, #tpu.memory_space<vmem>>) target(%dma_start3A_51 : memref<128x128xf32, #tpu.memory_space<vmem_shared>>) target_semaphore(%run_scoped3A : memref<!tpu.dma_semaphore, #tpu.memory_space<semaphore_mem>>)
      %dma_wait3A = arith.constant 0 : i32
      %dma_wait3A_55 = arith.constant 0 : i32
      %dma_wait3A_56 = tpu.memref_slice %arg9[%dma_wait3A, %dma_wait3A_55] : memref<128x128xf32, #tpu.memory_space<vmem>> -> memref<128x128xf32, #tpu.memory_space<vmem>>
      %dma_wait3A_57 = arith.constant 0 : i32
      %dma_wait3A_58 = tpu.memref_slice %arg6[%add3A_10, %dma_wait3A_57] : memref<10112x128xf32, #tpu.memory_space<vmem_shared>> -> memref<128x128xf32, #tpu.memory_space<vmem_shared>>
      %dma_wait3A_59 = arith.constant 0 : i32
      %dma_wait3A_60 = tpu.memref_slice %arg6[%add3A_10, %dma_wait3A_59] : memref<10112x128xf32, #tpu.memory_space<vmem_shared>> -> memref<128x128xf32, #tpu.memory_space<vmem_shared>>
      %dma_wait3A_61 = arith.constant 0 : i32
      %dma_wait3A_62 = arith.constant 0 : i32
      %dma_wait3A_63 = tpu.memref_slice %arg9[%dma_wait3A_61, %dma_wait3A_62] : memref<128x128xf32, #tpu.memory_space<vmem>> -> memref<128x128xf32, #tpu.memory_space<vmem>>
      tpu.wait_dma2 semaphore(%run_scoped3A : memref<!tpu.dma_semaphore, #tpu.memory_space<semaphore_mem>>) src(%dma_wait3A_63 : memref<128x128xf32, #tpu.memory_space<vmem>>) dst(%dma_wait3A_60 : memref<128x128xf32, #tpu.memory_space<vmem_shared>>)
      tpu.yield
    }) : () -> ()
    %add3A_11 = arith.constant 128 : i32
    %add3A_12 = arith.addi %mul3A_2, %add3A_11 : i32
    "tpu.region"() ({
      %run_scoped3A = tpu.sem_alloc : memref<!tpu.dma_semaphore, #tpu.memory_space<semaphore_mem>>
      %dma_start3A = arith.constant 0 : i32
      %dma_start3A_46 = arith.constant 0 : i32
      %dma_start3A_47 = tpu.memref_slice %arg9[%dma_start3A, %dma_start3A_46] : memref<128x128xf32, #tpu.memory_space<vmem>> -> memref<128x128xf32, #tpu.memory_space<vmem>>
      %dma_start3A_48 = arith.constant 0 : i32
      %dma_start3A_49 = tpu.memref_slice %arg6[%add3A_12, %dma_start3A_48] : memref<10112x128xf32, #tpu.memory_space<vmem_shared>> -> memref<128x128xf32, #tpu.memory_space<vmem_shared>>
      %dma_start3A_50 = arith.constant 0 : i32
      %dma_start3A_51 = tpu.memref_slice %arg6[%add3A_12, %dma_start3A_50] : memref<10112x128xf32, #tpu.memory_space<vmem_shared>> -> memref<128x128xf32, #tpu.memory_space<vmem_shared>>
      %dma_start3A_52 = arith.constant 0 : i32
      %dma_start3A_53 = arith.constant 0 : i32
      %dma_start3A_54 = tpu.memref_slice %arg9[%dma_start3A_52, %dma_start3A_53] : memref<128x128xf32, #tpu.memory_space<vmem>> -> memref<128x128xf32, #tpu.memory_space<vmem>>
      tpu.enqueue_dma source(%dma_start3A_54 : memref<128x128xf32, #tpu.memory_space<vmem>>) target(%dma_start3A_51 : memref<128x128xf32, #tpu.memory_space<vmem_shared>>) target_semaphore(%run_scoped3A : memref<!tpu.dma_semaphore, #tpu.memory_space<semaphore_mem>>)
      %dma_wait3A = arith.constant 0 : i32
      %dma_wait3A_55 = arith.constant 0 : i32
      %dma_wait3A_56 = tpu.memref_slice %arg9[%dma_wait3A, %dma_wait3A_55] : memref<128x128xf32, #tpu.memory_space<vmem>> -> memref<128x128xf32, #tpu.memory_space<vmem>>
      %dma_wait3A_57 = arith.constant 0 : i32
      %dma_wait3A_58 = tpu.memref_slice %arg6[%add3A_12, %dma_wait3A_57] : memref<10112x128xf32, #tpu.memory_space<vmem_shared>> -> memref<128x128xf32, #tpu.memory_space<vmem_shared>>
      %dma_wait3A_59 = arith.constant 0 : i32
      %dma_wait3A_60 = tpu.memref_slice %arg6[%add3A_12, %dma_wait3A_59] : memref<10112x128xf32, #tpu.memory_space<vmem_shared>> -> memref<128x128xf32, #tpu.memory_space<vmem_shared>>
      %dma_wait3A_61 = arith.constant 0 : i32
      %dma_wait3A_62 = arith.constant 0 : i32
      %dma_wait3A_63 = tpu.memref_slice %arg9[%dma_wait3A_61, %dma_wait3A_62] : memref<128x128xf32, #tpu.memory_space<vmem>> -> memref<128x128xf32, #tpu.memory_space<vmem>>
      tpu.wait_dma2 semaphore(%run_scoped3A : memref<!tpu.dma_semaphore, #tpu.memory_space<semaphore_mem>>) src(%dma_wait3A_63 : memref<128x128xf32, #tpu.memory_space<vmem>>) dst(%dma_wait3A_60 : memref<128x128xf32, #tpu.memory_space<vmem_shared>>)
      tpu.yield
    }) : () -> ()
    %add3A_13 = arith.constant 256 : i32
    %add3A_14 = arith.addi %mul3A_2, %add3A_13 : i32
    "tpu.region"() ({
      %run_scoped3A = tpu.sem_alloc : memref<!tpu.dma_semaphore, #tpu.memory_space<semaphore_mem>>
      %dma_start3A = arith.constant 0 : i32
      %dma_start3A_46 = arith.constant 0 : i32
      %dma_start3A_47 = tpu.memref_slice %arg9[%dma_start3A, %dma_start3A_46] : memref<128x128xf32, #tpu.memory_space<vmem>> -> memref<128x128xf32, #tpu.memory_space<vmem>>
      %dma_start3A_48 = arith.constant 0 : i32
      %dma_start3A_49 = tpu.memref_slice %arg6[%add3A_14, %dma_start3A_48] : memref<10112x128xf32, #tpu.memory_space<vmem_shared>> -> memref<128x128xf32, #tpu.memory_space<vmem_shared>>
      %dma_start3A_50 = arith.constant 0 : i32
      %dma_start3A_51 = tpu.memref_slice %arg6[%add3A_14, %dma_start3A_50] : memref<10112x128xf32, #tpu.memory_space<vmem_shared>> -> memref<128x128xf32, #tpu.memory_space<vmem_shared>>
      %dma_start3A_52 = arith.constant 0 : i32
      %dma_start3A_53 = arith.constant 0 : i32
      %dma_start3A_54 = tpu.memref_slice %arg9[%dma_start3A_52, %dma_start3A_53] : memref<128x128xf32, #tpu.memory_space<vmem>> -> memref<128x128xf32, #tpu.memory_space<vmem>>
      tpu.enqueue_dma source(%dma_start3A_54 : memref<128x128xf32, #tpu.memory_space<vmem>>) target(%dma_start3A_51 : memref<128x128xf32, #tpu.memory_space<vmem_shared>>) target_semaphore(%run_scoped3A : memref<!tpu.dma_semaphore, #tpu.memory_space<semaphore_mem>>)
      %dma_wait3A = arith.constant 0 : i32
      %dma_wait3A_55 = arith.constant 0 : i32
      %dma_wait3A_56 = tpu.memref_slice %arg9[%dma_wait3A, %dma_wait3A_55] : memref<128x128xf32, #tpu.memory_space<vmem>> -> memref<128x128xf32, #tpu.memory_space<vmem>>
      %dma_wait3A_57 = arith.constant 0 : i32
      %dma_wait3A_58 = tpu.memref_slice %arg6[%add3A_14, %dma_wait3A_57] : memref<10112x128xf32, #tpu.memory_space<vmem_shared>> -> memref<128x128xf32, #tpu.memory_space<vmem_shared>>
      %dma_wait3A_59 = arith.constant 0 : i32
      %dma_wait3A_60 = tpu.memref_slice %arg6[%add3A_14, %dma_wait3A_59] : memref<10112x128xf32, #tpu.memory_space<vmem_shared>> -> memref<128x128xf32, #tpu.memory_space<vmem_shared>>
      %dma_wait3A_61 = arith.constant 0 : i32
      %dma_wait3A_62 = arith.constant 0 : i32
      %dma_wait3A_63 = tpu.memref_slice %arg9[%dma_wait3A_61, %dma_wait3A_62] : memref<128x128xf32, #tpu.memory_space<vmem>> -> memref<128x128xf32, #tpu.memory_space<vmem>>
      tpu.wait_dma2 semaphore(%run_scoped3A : memref<!tpu.dma_semaphore, #tpu.memory_space<semaphore_mem>>) src(%dma_wait3A_63 : memref<128x128xf32, #tpu.memory_space<vmem>>) dst(%dma_wait3A_60 : memref<128x128xf32, #tpu.memory_space<vmem_shared>>)
      tpu.yield
    }) : () -> ()
    %add3A_15 = arith.constant 384 : i32
    %add3A_16 = arith.addi %mul3A_2, %add3A_15 : i32
    "tpu.region"() ({
      %run_scoped3A = tpu.sem_alloc : memref<!tpu.dma_semaphore, #tpu.memory_space<semaphore_mem>>
      %dma_start3A = arith.constant 0 : i32
      %dma_start3A_46 = arith.constant 0 : i32
      %dma_start3A_47 = tpu.memref_slice %arg9[%dma_start3A, %dma_start3A_46] : memref<128x128xf32, #tpu.memory_space<vmem>> -> memref<128x128xf32, #tpu.memory_space<vmem>>
      %dma_start3A_48 = arith.constant 0 : i32
      %dma_start3A_49 = tpu.memref_slice %arg6[%add3A_16, %dma_start3A_48] : memref<10112x128xf32, #tpu.memory_space<vmem_shared>> -> memref<128x128xf32, #tpu.memory_space<vmem_shared>>
      %dma_start3A_50 = arith.constant 0 : i32
      %dma_start3A_51 = tpu.memref_slice %arg6[%add3A_16, %dma_start3A_50] : memref<10112x128xf32, #tpu.memory_space<vmem_shared>> -> memref<128x128xf32, #tpu.memory_space<vmem_shared>>
      %dma_start3A_52 = arith.constant 0 : i32
      %dma_start3A_53 = arith.constant 0 : i32
      %dma_start3A_54 = tpu.memref_slice %arg9[%dma_start3A_52, %dma_start3A_53] : memref<128x128xf32, #tpu.memory_space<vmem>> -> memref<128x128xf32, #tpu.memory_space<vmem>>
      tpu.enqueue_dma source(%dma_start3A_54 : memref<128x128xf32, #tpu.memory_space<vmem>>) target(%dma_start3A_51 : memref<128x128xf32, #tpu.memory_space<vmem_shared>>) target_semaphore(%run_scoped3A : memref<!tpu.dma_semaphore, #tpu.memory_space<semaphore_mem>>)
      %dma_wait3A = arith.constant 0 : i32
      %dma_wait3A_55 = arith.constant 0 : i32
      %dma_wait3A_56 = tpu.memref_slice %arg9[%dma_wait3A, %dma_wait3A_55] : memref<128x128xf32, #tpu.memory_space<vmem>> -> memref<128x128xf32, #tpu.memory_space<vmem>>
      %dma_wait3A_57 = arith.constant 0 : i32
      %dma_wait3A_58 = tpu.memref_slice %arg6[%add3A_16, %dma_wait3A_57] : memref<10112x128xf32, #tpu.memory_space<vmem_shared>> -> memref<128x128xf32, #tpu.memory_space<vmem_shared>>
      %dma_wait3A_59 = arith.constant 0 : i32
      %dma_wait3A_60 = tpu.memref_slice %arg6[%add3A_16, %dma_wait3A_59] : memref<10112x128xf32, #tpu.memory_space<vmem_shared>> -> memref<128x128xf32, #tpu.memory_space<vmem_shared>>
      %dma_wait3A_61 = arith.constant 0 : i32
      %dma_wait3A_62 = arith.constant 0 : i32
      %dma_wait3A_63 = tpu.memref_slice %arg9[%dma_wait3A_61, %dma_wait3A_62] : memref<128x128xf32, #tpu.memory_space<vmem>> -> memref<128x128xf32, #tpu.memory_space<vmem>>
      tpu.wait_dma2 semaphore(%run_scoped3A : memref<!tpu.dma_semaphore, #tpu.memory_space<semaphore_mem>>) src(%dma_wait3A_63 : memref<128x128xf32, #tpu.memory_space<vmem>>) dst(%dma_wait3A_60 : memref<128x128xf32, #tpu.memory_space<vmem_shared>>)
      tpu.yield
    }) : () -> ()
    %add3A_17 = arith.constant 512 : i32
    %add3A_18 = arith.addi %mul3A_2, %add3A_17 : i32
    "tpu.region"() ({
      %run_scoped3A = tpu.sem_alloc : memref<!tpu.dma_semaphore, #tpu.memory_space<semaphore_mem>>
      %dma_start3A = arith.constant 0 : i32
      %dma_start3A_46 = arith.constant 0 : i32
      %dma_start3A_47 = tpu.memref_slice %arg9[%dma_start3A, %dma_start3A_46] : memref<128x128xf32, #tpu.memory_space<vmem>> -> memref<120x128xf32, #tpu.memory_space<vmem>>
      %dma_start3A_48 = arith.constant 0 : i32
      %dma_start3A_49 = tpu.memref_slice %arg6[%add3A_18, %dma_start3A_48] : memref<10112x128xf32, #tpu.memory_space<vmem_shared>> -> memref<120x128xf32, #tpu.memory_space<vmem_shared>>
      %dma_start3A_50 = arith.constant 0 : i32
      %dma_start3A_51 = tpu.memref_slice %arg6[%add3A_18, %dma_start3A_50] : memref<10112x128xf32, #tpu.memory_space<vmem_shared>> -> memref<120x128xf32, #tpu.memory_space<vmem_shared>>
      %dma_start3A_52 = arith.constant 0 : i32
      %dma_start3A_53 = arith.constant 0 : i32
      %dma_start3A_54 = tpu.memref_slice %arg9[%dma_start3A_52, %dma_start3A_53] : memref<128x128xf32, #tpu.memory_space<vmem>> -> memref<120x128xf32, #tpu.memory_space<vmem>>
      tpu.enqueue_dma source(%dma_start3A_54 : memref<120x128xf32, #tpu.memory_space<vmem>>) target(%dma_start3A_51 : memref<120x128xf32, #tpu.memory_space<vmem_shared>>) target_semaphore(%run_scoped3A : memref<!tpu.dma_semaphore, #tpu.memory_space<semaphore_mem>>)
      %dma_wait3A = arith.constant 0 : i32
      %dma_wait3A_55 = arith.constant 0 : i32
      %dma_wait3A_56 = tpu.memref_slice %arg9[%dma_wait3A, %dma_wait3A_55] : memref<128x128xf32, #tpu.memory_space<vmem>> -> memref<120x128xf32, #tpu.memory_space<vmem>>
      %dma_wait3A_57 = arith.constant 0 : i32
      %dma_wait3A_58 = tpu.memref_slice %arg6[%add3A_18, %dma_wait3A_57] : memref<10112x128xf32, #tpu.memory_space<vmem_shared>> -> memref<120x128xf32, #tpu.memory_space<vmem_shared>>
      %dma_wait3A_59 = arith.constant 0 : i32
      %dma_wait3A_60 = tpu.memref_slice %arg6[%add3A_18, %dma_wait3A_59] : memref<10112x128xf32, #tpu.memory_space<vmem_shared>> -> memref<120x128xf32, #tpu.memory_space<vmem_shared>>
      %dma_wait3A_61 = arith.constant 0 : i32
      %dma_wait3A_62 = arith.constant 0 : i32
      %dma_wait3A_63 = tpu.memref_slice %arg9[%dma_wait3A_61, %dma_wait3A_62] : memref<128x128xf32, #tpu.memory_space<vmem>> -> memref<120x128xf32, #tpu.memory_space<vmem>>
      tpu.wait_dma2 semaphore(%run_scoped3A : memref<!tpu.dma_semaphore, #tpu.memory_space<semaphore_mem>>) src(%dma_wait3A_63 : memref<120x128xf32, #tpu.memory_space<vmem>>) dst(%dma_wait3A_60 : memref<120x128xf32, #tpu.memory_space<vmem_shared>>)
      tpu.yield
    }) : () -> ()
    %barrier3A = arith.constant 0 : index
    tpu.barrier barrier_id(%barrier3A)
    %scan3A_19 = arith.constant 0 : i32
    %scan3A_20 = arith.constant 0 : i32
    %scan3A_21 = arith.constant 79 : i32
    %scan3A_22 = arith.addi %scan3A_20, %scan3A_21 : i32
    %scan3A_23 = arith.constant 1 : i32
    scf.for %scan3A_46 = %scan3A_20 to %scan3A_22 step %scan3A_23  : i32 {
      %mul3A_47 = arith.constant 79 : i32
      %mul3A_48 = arith.muli %add3A, %mul3A_47 : i32
      %add3A_49 = arith.addi %mul3A_48, %scan3A_46 : i32
      %mul3A_50 = arith.constant 128 : i32
      %mul3A_51 = arith.muli %add3A_49, %mul3A_50 : i32
      "tpu.region"() ({
        %run_scoped3A = tpu.sem_alloc : memref<!tpu.dma_semaphore, #tpu.memory_space<semaphore_mem>>
        %dma_start3A_56 = tpu.memref_slice %arg3[%mul3A_51] : memref<323584xi32, #tpu.memory_space<hbm>> -> memref<128xi32, #tpu.memory_space<hbm>>
        %dma_start3A_57 = tpu.memref_slice %arg3[%mul3A_51] : memref<323584xi32, #tpu.memory_space<hbm>> -> memref<128xi32, #tpu.memory_space<hbm>>
        tpu.enqueue_dma source(%dma_start3A_57 : memref<128xi32, #tpu.memory_space<hbm>>) target(%arg7 : memref<128xi32, #tpu.memory_space<vmem>>) target_semaphore(%run_scoped3A : memref<!tpu.dma_semaphore, #tpu.memory_space<semaphore_mem>>)
        %dma_wait3A_58 = tpu.memref_slice %arg3[%mul3A_51] : memref<323584xi32, #tpu.memory_space<hbm>> -> memref<128xi32, #tpu.memory_space<hbm>>
        %dma_wait3A_59 = tpu.memref_slice %arg3[%mul3A_51] : memref<323584xi32, #tpu.memory_space<hbm>> -> memref<128xi32, #tpu.memory_space<hbm>>
        tpu.wait_dma2 semaphore(%run_scoped3A : memref<!tpu.dma_semaphore, #tpu.memory_space<semaphore_mem>>) src(%dma_wait3A_59 : memref<128xi32, #tpu.memory_space<hbm>>) dst(%arg7 : memref<128xi32, #tpu.memory_space<vmem>>)
        tpu.yield
      }) : () -> ()
      "tpu.region"() ({
        %run_scoped3A = tpu.sem_alloc : memref<!tpu.dma_semaphore, #tpu.memory_space<semaphore_mem>>
        %dma_start3A_56 = tpu.memref_slice %arg4[%mul3A_51] : memref<323584xi32, #tpu.memory_space<hbm>> -> memref<128xi32, #tpu.memory_space<hbm>>
        %dma_start3A_57 = tpu.memref_slice %arg4[%mul3A_51] : memref<323584xi32, #tpu.memory_space<hbm>> -> memref<128xi32, #tpu.memory_space<hbm>>
        tpu.enqueue_dma source(%dma_start3A_57 : memref<128xi32, #tpu.memory_space<hbm>>) target(%arg8 : memref<128xi32, #tpu.memory_space<vmem>>) target_semaphore(%run_scoped3A : memref<!tpu.dma_semaphore, #tpu.memory_space<semaphore_mem>>)
        %dma_wait3A_58 = tpu.memref_slice %arg4[%mul3A_51] : memref<323584xi32, #tpu.memory_space<hbm>> -> memref<128xi32, #tpu.memory_space<hbm>>
        %dma_wait3A_59 = tpu.memref_slice %arg4[%mul3A_51] : memref<323584xi32, #tpu.memory_space<hbm>> -> memref<128xi32, #tpu.memory_space<hbm>>
        tpu.wait_dma2 semaphore(%run_scoped3A : memref<!tpu.dma_semaphore, #tpu.memory_space<semaphore_mem>>) src(%dma_wait3A_59 : memref<128xi32, #tpu.memory_space<hbm>>) dst(%arg8 : memref<128xi32, #tpu.memory_space<vmem>>)
        tpu.yield
      }) : () -> ()
      %dma_start3A = arith.constant 0 : i32
      %dma_start3A_52 = arith.constant 0 : i32
      %dma_start3A_53 = tpu.memref_slice %arg2[%dma_start3A, %dma_start3A_52] : memref<10112x128xf32, #tpu.memory_space<hbm>> -> memref<10112x128xf32, #tpu.memory_space<hbm>>
      tpu.enqueue_indirect_dma source(%dma_start3A_53 : memref<10112x128xf32, #tpu.memory_space<hbm>>) target(%arg9 : memref<128x128xf32, #tpu.memory_space<vmem>>) offsets(%arg7 : memref<128xi32, #tpu.memory_space<vmem>>) semaphore(%arg10 : memref<!tpu.dma_semaphore, #tpu.memory_space<semaphore_mem>>)
      %dma_wait3A = arith.constant 0 : i32
      %dma_wait3A_54 = arith.constant 0 : i32
      %dma_wait3A_55 = tpu.memref_slice %arg2[%dma_wait3A, %dma_wait3A_54] : memref<10112x128xf32, #tpu.memory_space<hbm>> -> memref<10112x128xf32, #tpu.memory_space<hbm>>
      tpu.wait_indirect_dma semaphore(%arg10 : memref<!tpu.dma_semaphore, #tpu.memory_space<semaphore_mem>>) src(%dma_wait3A_55 : memref<10112x128xf32, #tpu.memory_space<hbm>>) dst(%arg9 : memref<128x128xf32, #tpu.memory_space<vmem>>)
      "tpu.region"() ({
        %run_scoped3A = tpu.sem_alloc : memref<!tpu.dma_semaphore, #tpu.memory_space<semaphore_mem>>
        %dma_start3A_56 = arith.constant 0 : i32
        %dma_start3A_57 = arith.constant 0 : i32
        %dma_start3A_58 = tpu.memref_slice %arg6[%dma_start3A_56, %dma_start3A_57] : memref<10112x128xf32, #tpu.memory_space<vmem_shared>> -> memref<10112x128xf32, #tpu.memory_space<vmem_shared>>
        tpu.enqueue_indirect_dma source(%arg9 : memref<128x128xf32, #tpu.memory_space<vmem>>) target(%dma_start3A_58 : memref<10112x128xf32, #tpu.memory_space<vmem_shared>>) offsets(%arg8 : memref<128xi32, #tpu.memory_space<vmem>>) semaphore(%run_scoped3A : memref<!tpu.dma_semaphore, #tpu.memory_space<semaphore_mem>>) {add = true}
        %dma_wait3A_59 = arith.constant 0 : i32
        %dma_wait3A_60 = arith.constant 0 : i32
        %dma_wait3A_61 = tpu.memref_slice %arg6[%dma_wait3A_59, %dma_wait3A_60] : memref<10112x128xf32, #tpu.memory_space<vmem_shared>> -> memref<10112x128xf32, #tpu.memory_space<vmem_shared>>
        tpu.wait_indirect_dma semaphore(%run_scoped3A : memref<!tpu.dma_semaphore, #tpu.memory_space<semaphore_mem>>) src(%arg9 : memref<128x128xf32, #tpu.memory_space<vmem>>) dst(%dma_wait3A_61 : memref<10112x128xf32, #tpu.memory_space<vmem_shared>>)
        tpu.yield
      }) : () -> ()
    }
    %scan3A_24 = arith.constant 79 : i32
    %barrier3A_25 = arith.constant 0 : index
    tpu.barrier barrier_id(%barrier3A_25)
    %add3A_26 = arith.constant 0 : i32
    %add3A_27 = arith.addi %mul3A_2, %add3A_26 : i32
    %add3A_28 = arith.constant 0 : i32
    %add3A_29 = arith.addi %mul3A_2, %add3A_28 : i32
    "tpu.region"() ({
      %run_scoped3A = tpu.sem_alloc : memref<!tpu.dma_semaphore, #tpu.memory_space<semaphore_mem>>
      %dma_start3A = arith.constant 0 : i32
      %dma_start3A_46 = tpu.memref_slice %arg5[%arg0, %add3A_29, %dma_start3A] : memref<2x10112x128xf32, #tpu.memory_space<hbm>> -> memref<1x128x128xf32, #tpu.memory_space<hbm>>
      %dma_start3A_47 = tpu.memref_squeeze %dma_start3A_46 : memref<1x128x128xf32, #tpu.memory_space<hbm>> -> memref<128x128xf32, #tpu.memory_space<hbm>>
      %dma_start3A_48 = arith.constant 0 : i32
      %dma_start3A_49 = tpu.memref_slice %arg6[%add3A_27, %dma_start3A_48] : memref<10112x128xf32, #tpu.memory_space<vmem_shared>> -> memref<128x128xf32, #tpu.memory_space<vmem_shared>>
      tpu.enqueue_dma source(%dma_start3A_49 : memref<128x128xf32, #tpu.memory_space<vmem_shared>>) target(%dma_start3A_47 : memref<128x128xf32, #tpu.memory_space<hbm>>) target_semaphore(%run_scoped3A : memref<!tpu.dma_semaphore, #tpu.memory_space<semaphore_mem>>)
      %dma_wait3A = arith.constant 0 : i32
      %dma_wait3A_50 = tpu.memref_slice %arg5[%arg0, %add3A_29, %dma_wait3A] : memref<2x10112x128xf32, #tpu.memory_space<hbm>> -> memref<1x128x128xf32, #tpu.memory_space<hbm>>
      %dma_wait3A_51 = tpu.memref_squeeze %dma_wait3A_50 : memref<1x128x128xf32, #tpu.memory_space<hbm>> -> memref<128x128xf32, #tpu.memory_space<hbm>>
      %dma_wait3A_52 = arith.constant 0 : i32
      %dma_wait3A_53 = tpu.memref_slice %arg6[%add3A_27, %dma_wait3A_52] : memref<10112x128xf32, #tpu.memory_space<vmem_shared>> -> memref<128x128xf32, #tpu.memory_space<vmem_shared>>
      tpu.wait_dma2 semaphore(%run_scoped3A : memref<!tpu.dma_semaphore, #tpu.memory_space<semaphore_mem>>) src(%dma_wait3A_53 : memref<128x128xf32, #tpu.memory_space<vmem_shared>>) dst(%dma_wait3A_51 : memref<128x128xf32, #tpu.memory_space<hbm>>)
      tpu.yield
    }) : () -> ()
    %add3A_30 = arith.constant 128 : i32
    %add3A_31 = arith.addi %mul3A_2, %add3A_30 : i32
    %add3A_32 = arith.constant 128 : i32
    %add3A_33 = arith.addi %mul3A_2, %add3A_32 : i32
    "tpu.region"() ({
      %run_scoped3A = tpu.sem_alloc : memref<!tpu.dma_semaphore, #tpu.memory_space<semaphore_mem>>
      %dma_start3A = arith.constant 0 : i32
      %dma_start3A_46 = tpu.memref_slice %arg5[%arg0, %add3A_33, %dma_start3A] : memref<2x10112x128xf32, #tpu.memory_space<hbm>> -> memref<1x128x128xf32, #tpu.memory_space<hbm>>
      %dma_start3A_47 = tpu.memref_squeeze %dma_start3A_46 : memref<1x128x128xf32, #tpu.memory_space<hbm>> -> memref<128x128xf32, #tpu.memory_space<hbm>>
      %dma_start3A_48 = arith.constant 0 : i32
      %dma_start3A_49 = tpu.memref_slice %arg6[%add3A_31, %dma_start3A_48] : memref<10112x128xf32, #tpu.memory_space<vmem_shared>> -> memref<128x128xf32, #tpu.memory_space<vmem_shared>>
      tpu.enqueue_dma source(%dma_start3A_49 : memref<128x128xf32, #tpu.memory_space<vmem_shared>>) target(%dma_start3A_47 : memref<128x128xf32, #tpu.memory_space<hbm>>) target_semaphore(%run_scoped3A : memref<!tpu.dma_semaphore, #tpu.memory_space<semaphore_mem>>)
      %dma_wait3A = arith.constant 0 : i32
      %dma_wait3A_50 = tpu.memref_slice %arg5[%arg0, %add3A_33, %dma_wait3A] : memref<2x10112x128xf32, #tpu.memory_space<hbm>> -> memref<1x128x128xf32, #tpu.memory_space<hbm>>
      %dma_wait3A_51 = tpu.memref_squeeze %dma_wait3A_50 : memref<1x128x128xf32, #tpu.memory_space<hbm>> -> memref<128x128xf32, #tpu.memory_space<hbm>>
      %dma_wait3A_52 = arith.constant 0 : i32
      %dma_wait3A_53 = tpu.memref_slice %arg6[%add3A_31, %dma_wait3A_52] : memref<10112x128xf32, #tpu.memory_space<vmem_shared>> -> memref<128x128xf32, #tpu.memory_space<vmem_shared>>
      tpu.wait_dma2 semaphore(%run_scoped3A : memref<!tpu.dma_semaphore, #tpu.memory_space<semaphore_mem>>) src(%dma_wait3A_53 : memref<128x128xf32, #tpu.memory_space<vmem_shared>>) dst(%dma_wait3A_51 : memref<128x128xf32, #tpu.memory_space<hbm>>)
      tpu.yield
    }) : () -> ()
    %add3A_34 = arith.constant 256 : i32
    %add3A_35 = arith.addi %mul3A_2, %add3A_34 : i32
    %add3A_36 = arith.constant 256 : i32
    %add3A_37 = arith.addi %mul3A_2, %add3A_36 : i32
    "tpu.region"() ({
      %run_scoped3A = tpu.sem_alloc : memref<!tpu.dma_semaphore, #tpu.memory_space<semaphore_mem>>
      %dma_start3A = arith.constant 0 : i32
      %dma_start3A_46 = tpu.memref_slice %arg5[%arg0, %add3A_37, %dma_start3A] : memref<2x10112x128xf32, #tpu.memory_space<hbm>> -> memref<1x128x128xf32, #tpu.memory_space<hbm>>
      %dma_start3A_47 = tpu.memref_squeeze %dma_start3A_46 : memref<1x128x128xf32, #tpu.memory_space<hbm>> -> memref<128x128xf32, #tpu.memory_space<hbm>>
      %dma_start3A_48 = arith.constant 0 : i32
      %dma_start3A_49 = tpu.memref_slice %arg6[%add3A_35, %dma_start3A_48] : memref<10112x128xf32, #tpu.memory_space<vmem_shared>> -> memref<128x128xf32, #tpu.memory_space<vmem_shared>>
      tpu.enqueue_dma source(%dma_start3A_49 : memref<128x128xf32, #tpu.memory_space<vmem_shared>>) target(%dma_start3A_47 : memref<128x128xf32, #tpu.memory_space<hbm>>) target_semaphore(%run_scoped3A : memref<!tpu.dma_semaphore, #tpu.memory_space<semaphore_mem>>)
      %dma_wait3A = arith.constant 0 : i32
      %dma_wait3A_50 = tpu.memref_slice %arg5[%arg0, %add3A_37, %dma_wait3A] : memref<2x10112x128xf32, #tpu.memory_space<hbm>> -> memref<1x128x128xf32, #tpu.memory_space<hbm>>
      %dma_wait3A_51 = tpu.memref_squeeze %dma_wait3A_50 : memref<1x128x128xf32, #tpu.memory_space<hbm>> -> memref<128x128xf32, #tpu.memory_space<hbm>>
      %dma_wait3A_52 = arith.constant 0 : i32
      %dma_wait3A_53 = tpu.memref_slice %arg6[%add3A_35, %dma_wait3A_52] : memref<10112x128xf32, #tpu.memory_space<vmem_shared>> -> memref<128x128xf32, #tpu.memory_space<vmem_shared>>
      tpu.wait_dma2 semaphore(%run_scoped3A : memref<!tpu.dma_semaphore, #tpu.memory_space<semaphore_mem>>) src(%dma_wait3A_53 : memref<128x128xf32, #tpu.memory_space<vmem_shared>>) dst(%dma_wait3A_51 : memref<128x128xf32, #tpu.memory_space<hbm>>)
      tpu.yield
    }) : () -> ()
    %add3A_38 = arith.constant 384 : i32
    %add3A_39 = arith.addi %mul3A_2, %add3A_38 : i32
    %add3A_40 = arith.constant 384 : i32
    %add3A_41 = arith.addi %mul3A_2, %add3A_40 : i32
    "tpu.region"() ({
      %run_scoped3A = tpu.sem_alloc : memref<!tpu.dma_semaphore, #tpu.memory_space<semaphore_mem>>
      %dma_start3A = arith.constant 0 : i32
      %dma_start3A_46 = tpu.memref_slice %arg5[%arg0, %add3A_41, %dma_start3A] : memref<2x10112x128xf32, #tpu.memory_space<hbm>> -> memref<1x128x128xf32, #tpu.memory_space<hbm>>
      %dma_start3A_47 = tpu.memref_squeeze %dma_start3A_46 : memref<1x128x128xf32, #tpu.memory_space<hbm>> -> memref<128x128xf32, #tpu.memory_space<hbm>>
      %dma_start3A_48 = arith.constant 0 : i32
      %dma_start3A_49 = tpu.memref_slice %arg6[%add3A_39, %dma_start3A_48] : memref<10112x128xf32, #tpu.memory_space<vmem_shared>> -> memref<128x128xf32, #tpu.memory_space<vmem_shared>>
      tpu.enqueue_dma source(%dma_start3A_49 : memref<128x128xf32, #tpu.memory_space<vmem_shared>>) target(%dma_start3A_47 : memref<128x128xf32, #tpu.memory_space<hbm>>) target_semaphore(%run_scoped3A : memref<!tpu.dma_semaphore, #tpu.memory_space<semaphore_mem>>)
      %dma_wait3A = arith.constant 0 : i32
      %dma_wait3A_50 = tpu.memref_slice %arg5[%arg0, %add3A_41, %dma_wait3A] : memref<2x10112x128xf32, #tpu.memory_space<hbm>> -> memref<1x128x128xf32, #tpu.memory_space<hbm>>
      %dma_wait3A_51 = tpu.memref_squeeze %dma_wait3A_50 : memref<1x128x128xf32, #tpu.memory_space<hbm>> -> memref<128x128xf32, #tpu.memory_space<hbm>>
      %dma_wait3A_52 = arith.constant 0 : i32
      %dma_wait3A_53 = tpu.memref_slice %arg6[%add3A_39, %dma_wait3A_52] : memref<10112x128xf32, #tpu.memory_space<vmem_shared>> -> memref<128x128xf32, #tpu.memory_space<vmem_shared>>
      tpu.wait_dma2 semaphore(%run_scoped3A : memref<!tpu.dma_semaphore, #tpu.memory_space<semaphore_mem>>) src(%dma_wait3A_53 : memref<128x128xf32, #tpu.memory_space<vmem_shared>>) dst(%dma_wait3A_51 : memref<128x128xf32, #tpu.memory_space<hbm>>)
      tpu.yield
    }) : () -> ()
    %add3A_42 = arith.constant 512 : i32
    %add3A_43 = arith.addi %mul3A_2, %add3A_42 : i32
    %add3A_44 = arith.constant 512 : i32
    %add3A_45 = arith.addi %mul3A_2, %add3A_44 : i32
    "tpu.region"() ({
      %run_scoped3A = tpu.sem_alloc : memref<!tpu.dma_semaphore, #tpu.memory_space<semaphore_mem>>
      %dma_start3A = arith.constant 0 : i32
      %dma_start3A_46 = tpu.memref_slice %arg5[%arg0, %add3A_45, %dma_start3A] : memref<2x10112x128xf32, #tpu.memory_space<hbm>> -> memref<1x120x128xf32, #tpu.memory_space<hbm>>
      %dma_start3A_47 = tpu.memref_squeeze %dma_start3A_46 : memref<1x120x128xf32, #tpu.memory_space<hbm>> -> memref<120x128xf32, #tpu.memory_space<hbm>>
      %dma_start3A_48 = arith.constant 0 : i32
      %dma_start3A_49 = tpu.memref_slice %arg6[%add3A_43, %dma_start3A_48] : memref<10112x128xf32, #tpu.memory_space<vmem_shared>> -> memref<120x128xf32, #tpu.memory_space<vmem_shared>>
      tpu.enqueue_dma source(%dma_start3A_49 : memref<120x128xf32, #tpu.memory_space<vmem_shared>>) target(%dma_start3A_47 : memref<120x128xf32, #tpu.memory_space<hbm>>) target_semaphore(%run_scoped3A : memref<!tpu.dma_semaphore, #tpu.memory_space<semaphore_mem>>)
      %dma_wait3A = arith.constant 0 : i32
      %dma_wait3A_50 = tpu.memref_slice %arg5[%arg0, %add3A_45, %dma_wait3A] : memref<2x10112x128xf32, #tpu.memory_space<hbm>> -> memref<1x120x128xf32, #tpu.memory_space<hbm>>
      %dma_wait3A_51 = tpu.memref_squeeze %dma_wait3A_50 : memref<1x120x128xf32, #tpu.memory_space<hbm>> -> memref<120x128xf32, #tpu.memory_space<hbm>>
      %dma_wait3A_52 = arith.constant 0 : i32
      %dma_wait3A_53 = tpu.memref_slice %arg6[%add3A_43, %dma_wait3A_52] : memref<10112x128xf32, #tpu.memory_space<vmem_shared>> -> memref<120x128xf32, #tpu.memory_space<vmem_shared>>
      tpu.wait_dma2 semaphore(%run_scoped3A : memref<!tpu.dma_semaphore, #tpu.memory_space<semaphore_mem>>) src(%dma_wait3A_53 : memref<120x128xf32, #tpu.memory_space<vmem_shared>>) dst(%dma_wait3A_51 : memref<120x128xf32, #tpu.memory_space<hbm>>)
      tpu.yield
    }) : () -> ()
    return
  }
}

module attributes {stable_mosaic.version = 14 : i64} {
  func.func @_pre_body(%arg0: i32, %arg1: memref<2528x128xf32, #tpu.memory_space<vmem>>, %arg2: memref<128x128xf32, #tpu.memory_space<vmem>>, %arg3: memref<1x128xf32, #tpu.memory_space<vmem>>, %arg4: memref<64x128xf32, #tpu.memory_space<vmem>>, %arg5: memref<1x64xf32, #tpu.memory_space<vmem>>, %arg6: memref<2528x128xf32, #tpu.memory_space<vmem>>, %arg7: memref<2528x64xf32, #tpu.memory_space<vmem>>) attributes {dimension_semantics = [#tpu.dimension_semantics<arbitrary>], iteration_bounds = array<i64: 4>, scalar_prefetch = 0 : i64, scratch_operands = 0 : i64, tpu.core_type = #tpu.core_type<tc>, window_params = [{transform_indices = @transform_0, window_bounds = array<i64: 2528, 128>}, {pipeline_mode = #tpu.pipeline_mode<synchronous>, transform_indices = @transform_1, window_bounds = array<i64: 128, 128>}, {pipeline_mode = #tpu.pipeline_mode<synchronous>, transform_indices = @transform_2, window_bounds = array<i64: 1, 128>}, {pipeline_mode = #tpu.pipeline_mode<synchronous>, transform_indices = @transform_3, window_bounds = array<i64: 64, 128>}, {pipeline_mode = #tpu.pipeline_mode<synchronous>, transform_indices = @transform_4, window_bounds = array<i64: 1, 64>}, {transform_indices = @transform_5, window_bounds = array<i64: 2528, 128>}, {transform_indices = @transform_6, window_bounds = array<i64: 2528, 64>}]} {
    %get3A = arith.constant 0 : index
    %get3A_0 = arith.constant 0 : index
    %get3A_1 = vector.load %arg1[%get3A, %get3A_0] : memref<2528x128xf32, #tpu.memory_space<vmem>>, vector<2528x128xf32>
    %get3A_2 = arith.constant 0 : index
    %get3A_3 = arith.constant 0 : index
    %get3A_4 = vector.load %arg2[%get3A_2, %get3A_3] : memref<128x128xf32, #tpu.memory_space<vmem>>, vector<128x128xf32>
    %dot_general3A = arith.constant dense<0.000000e+00> : vector<2528x128xf32>
    %dot_general3A_5 = tpu.matmul %get3A_1, %get3A_4, %dot_general3A {dimension_numbers = #tpu.dot_dimension_numbers<[1], [1], [0], [0], [0, 0, 1, 0], [], []>, transpose_lhs_hint = false} : vector<2528x128xf32>, vector<128x128xf32>, vector<2528x128xf32> -> vector<2528x128xf32>
    %get3A_6 = arith.constant 0 : index
    %get3A_7 = arith.constant 0 : index
    %get3A_8 = vector.load %arg3[%get3A_6, %get3A_7] : memref<1x128xf32, #tpu.memory_space<vmem>>, vector<1x128xf32>
    %add3A = vector.broadcast %get3A_8 : vector<1x128xf32> to vector<2528x128xf32>
    %add3A_9 = arith.addf %dot_general3A_5, %add3A : vector<2528x128xf32>
    %swap3A = arith.constant 0 : index
    %swap3A_10 = arith.constant 0 : index
    %swap3A_11 = vector.load %arg6[%swap3A, %swap3A_10] : memref<2528x128xf32, #tpu.memory_space<vmem>>, vector<2528x128xf32>
    tpu.vector_store %arg6[%swap3A, %swap3A_10], %add3A_9 {strides = array<i32>} : memref<2528x128xf32, #tpu.memory_space<vmem>>, vector<2528x128xf32>,
    %get3A_12 = arith.constant 0 : index
    %get3A_13 = arith.constant 0 : index
    %get3A_14 = vector.load %arg4[%get3A_12, %get3A_13] : memref<64x128xf32, #tpu.memory_space<vmem>>, vector<64x128xf32>
    %dot_general3A_15 = arith.constant dense<0.000000e+00> : vector<2528x64xf32>
    %dot_general3A_16 = tpu.matmul %get3A_1, %get3A_14, %dot_general3A_15 {dimension_numbers = #tpu.dot_dimension_numbers<[1], [1], [0], [0], [0, 0, 1, 0], [], []>, transpose_lhs_hint = false} : vector<2528x128xf32>, vector<64x128xf32>, vector<2528x64xf32> -> vector<2528x64xf32>
    %get3A_17 = arith.constant 0 : index
    %get3A_18 = arith.constant 0 : index
    %get3A_19 = vector.load %arg5[%get3A_17, %get3A_18] : memref<1x64xf32, #tpu.memory_space<vmem>>, vector<1x64xf32>
    %add3A_20 = vector.broadcast %get3A_19 : vector<1x64xf32> to vector<2528x64xf32>
    %add3A_21 = arith.addf %dot_general3A_16, %add3A_20 : vector<2528x64xf32>
    %swap3A_22 = arith.constant 0 : index
    %swap3A_23 = arith.constant 0 : index
    %swap3A_24 = vector.load %arg7[%swap3A_22, %swap3A_23] : memref<2528x64xf32, #tpu.memory_space<vmem>>, vector<2528x64xf32>
    tpu.vector_store %arg7[%swap3A_22, %swap3A_23], %add3A_21 {strides = array<i32>} : memref<2528x64xf32, #tpu.memory_space<vmem>>, vector<2528x64xf32>,
    return
  }
  func.func @transform_0(%arg0: i32) -> (i32, i32) {
    %c0_i32 = arith.constant 0 : i32
    %c0_i32_0 = arith.constant 0 : i32
    return %arg0, %c0_i32 : i32, i32
  }
  func.func @transform_1(%arg0: i32) -> (i32, i32) {
    %c0_i32 = arith.constant 0 : i32
    %c0_i32_0 = arith.constant 0 : i32
    %c0_i32_1 = arith.constant 0 : i32
    return %c0_i32, %c0_i32_0 : i32, i32
  }
  func.func @transform_2(%arg0: i32) -> (i32, i32) {
    %c0_i32 = arith.constant 0 : i32
    %c0_i32_0 = arith.constant 0 : i32
    %c0_i32_1 = arith.constant 0 : i32
    return %c0_i32, %c0_i32_0 : i32, i32
  }
  func.func @transform_3(%arg0: i32) -> (i32, i32) {
    %c0_i32 = arith.constant 0 : i32
    %c0_i32_0 = arith.constant 0 : i32
    %c0_i32_1 = arith.constant 0 : i32
    return %c0_i32, %c0_i32_0 : i32, i32
  }
  func.func @transform_4(%arg0: i32) -> (i32, i32) {
    %c0_i32 = arith.constant 0 : i32
    %c0_i32_0 = arith.constant 0 : i32
    %c0_i32_1 = arith.constant 0 : i32
    return %c0_i32, %c0_i32_0 : i32, i32
  }
  func.func @transform_5(%arg0: i32) -> (i32, i32) {
    %c0_i32 = arith.constant 0 : i32
    %c0_i32_0 = arith.constant 0 : i32
    return %arg0, %c0_i32 : i32, i32
  }
  func.func @transform_6(%arg0: i32) -> (i32, i32) {
    %c0_i32 = arith.constant 0 : i32
    %c0_i32_0 = arith.constant 0 : i32
    return %arg0, %c0_i32 : i32, i32
  }
}

module attributes {stable_mosaic.version = 14 : i64} {
  func.func @_mid_body(%arg0: i32, %arg1: memref<1x2528x128xf32, #tpu.memory_space<vmem>>, %arg2: memref<1x2528x128xf32, #tpu.memory_space<vmem>>, %arg3: memref<2528x64xf32, #tpu.memory_space<vmem>>, %arg4: memref<128x64xf32, #tpu.memory_space<vmem>>, %arg5: memref<1x128xf32, #tpu.memory_space<vmem>>, %arg6: memref<64x64xf32, #tpu.memory_space<vmem>>, %arg7: memref<1x64xf32, #tpu.memory_space<vmem>>, %arg8: memref<2528x128xf32, #tpu.memory_space<vmem>>, %arg9: memref<2528x64xf32, #tpu.memory_space<vmem>>) attributes {dimension_semantics = [#tpu.dimension_semantics<arbitrary>], iteration_bounds = array<i64: 4>, scalar_prefetch = 0 : i64, scratch_operands = 0 : i64, tpu.core_type = #tpu.core_type<tc>, window_params = [{transform_indices = @transform_0, window_bounds = array<i64: 1, 2528, 128>}, {transform_indices = @transform_1, window_bounds = array<i64: 1, 2528, 128>}, {transform_indices = @transform_2, window_bounds = array<i64: 2528, 64>}, {pipeline_mode = #tpu.pipeline_mode<synchronous>, transform_indices = @transform_3, window_bounds = array<i64: 128, 64>}, {pipeline_mode = #tpu.pipeline_mode<synchronous>, transform_indices = @transform_4, window_bounds = array<i64: 1, 128>}, {pipeline_mode = #tpu.pipeline_mode<synchronous>, transform_indices = @transform_5, window_bounds = array<i64: 64, 64>}, {pipeline_mode = #tpu.pipeline_mode<synchronous>, transform_indices = @transform_6, window_bounds = array<i64: 1, 64>}, {transform_indices = @transform_7, window_bounds = array<i64: 2528, 128>}, {transform_indices = @transform_8, window_bounds = array<i64: 2528, 64>}]} {
    %get3A = arith.constant 0 : index
    %get3A_0 = arith.constant 0 : index
    %get3A_1 = arith.constant 0 : index
    %get3A_2 = vector.load %arg1[%get3A, %get3A_0, %get3A_1] : memref<1x2528x128xf32, #tpu.memory_space<vmem>>, vector<1x2528x128xf32>
    %get3A_3 = vector.shape_cast %get3A_2 : vector<1x2528x128xf32> to vector<2528x128xf32>
    %get3A_4 = arith.constant 0 : index
    %get3A_5 = arith.constant 0 : index
    %get3A_6 = arith.constant 0 : index
    %get3A_7 = vector.load %arg2[%get3A_4, %get3A_5, %get3A_6] : memref<1x2528x128xf32, #tpu.memory_space<vmem>>, vector<1x2528x128xf32>
    %get3A_8 = vector.shape_cast %get3A_7 : vector<1x2528x128xf32> to vector<2528x128xf32>
    %add3A = arith.addf %get3A_3, %get3A_8 : vector<2528x128xf32>
    %slice3A = vector.extract_strided_slice %add3A {offsets = [0, 64], sizes = [2528, 1], strides = [1, 1]} : vector<2528x128xf32> to vector<2528x1xf32>
    %max3A = arith.constant 1.000000e+00 : f32
    %max3A_9 = vector.broadcast %max3A : f32 to vector<2528x1xf32>
    %max3A_10 = arith.maximumf %slice3A, %max3A_9 : vector<2528x1xf32>
    %slice3A_11 = vector.extract_strided_slice %add3A {offsets = [0, 0], sizes = [2528, 64], strides = [1, 1]} : vector<2528x128xf32> to vector<2528x64xf32>
    %div3A = vector.broadcast %max3A_10 : vector<2528x1xf32> to vector<2528x64xf32>
    %div3A_12 = arith.divf %slice3A_11, %div3A : vector<2528x64xf32>
    %get3A_13 = arith.constant 0 : index
    %get3A_14 = arith.constant 0 : index
    %get3A_15 = vector.load %arg3[%get3A_13, %get3A_14] : memref<2528x64xf32, #tpu.memory_space<vmem>>, vector<2528x64xf32>
    %add3A_16 = arith.addf %div3A_12, %get3A_15 : vector<2528x64xf32>
    %max3A_17 = arith.constant 0.000000e+00 : f32
    %max3A_18 = vector.broadcast %max3A_17 : f32 to vector<2528x64xf32>
    %max3A_19 = arith.maximumf %add3A_16, %max3A_18 : vector<2528x64xf32>
    %get3A_20 = arith.constant 0 : index
    %get3A_21 = arith.constant 0 : index
    %get3A_22 = vector.load %arg4[%get3A_20, %get3A_21] : memref<128x64xf32, #tpu.memory_space<vmem>>, vector<128x64xf32>
    %dot_general3A = arith.constant dense<0.000000e+00> : vector<2528x128xf32>
    %dot_general3A_23 = tpu.matmul %max3A_19, %get3A_22, %dot_general3A {dimension_numbers = #tpu.dot_dimension_numbers<[1], [1], [0], [0], [0, 0, 1, 0], [], []>, transpose_lhs_hint = false} : vector<2528x64xf32>, vector<128x64xf32>, vector<2528x128xf32> -> vector<2528x128xf32>
    %get3A_24 = arith.constant 0 : index
    %get3A_25 = arith.constant 0 : index
    %get3A_26 = vector.load %arg5[%get3A_24, %get3A_25] : memref<1x128xf32, #tpu.memory_space<vmem>>, vector<1x128xf32>
    %add3A_27 = vector.broadcast %get3A_26 : vector<1x128xf32> to vector<2528x128xf32>
    %add3A_28 = arith.addf %dot_general3A_23, %add3A_27 : vector<2528x128xf32>
    %swap3A = arith.constant 0 : index
    %swap3A_29 = arith.constant 0 : index
    %swap3A_30 = vector.load %arg8[%swap3A, %swap3A_29] : memref<2528x128xf32, #tpu.memory_space<vmem>>, vector<2528x128xf32>
    tpu.vector_store %arg8[%swap3A, %swap3A_29], %add3A_28 {strides = array<i32>} : memref<2528x128xf32, #tpu.memory_space<vmem>>, vector<2528x128xf32>,
    %get3A_31 = arith.constant 0 : index
    %get3A_32 = arith.constant 0 : index
    %get3A_33 = vector.load %arg6[%get3A_31, %get3A_32] : memref<64x64xf32, #tpu.memory_space<vmem>>, vector<64x64xf32>
    %dot_general3A_34 = arith.constant dense<0.000000e+00> : vector<2528x64xf32>
    %dot_general3A_35 = tpu.matmul %max3A_19, %get3A_33, %dot_general3A_34 {dimension_numbers = #tpu.dot_dimension_numbers<[1], [1], [0], [0], [0, 0, 1, 0], [], []>, transpose_lhs_hint = false} : vector<2528x64xf32>, vector<64x64xf32>, vector<2528x64xf32> -> vector<2528x64xf32>
    %get3A_36 = arith.constant 0 : index
    %get3A_37 = arith.constant 0 : index
    %get3A_38 = vector.load %arg7[%get3A_36, %get3A_37] : memref<1x64xf32, #tpu.memory_space<vmem>>, vector<1x64xf32>
    %add3A_39 = vector.broadcast %get3A_38 : vector<1x64xf32> to vector<2528x64xf32>
    %add3A_40 = arith.addf %dot_general3A_35, %add3A_39 : vector<2528x64xf32>
    %swap3A_41 = arith.constant 0 : index
    %swap3A_42 = arith.constant 0 : index
    %swap3A_43 = vector.load %arg9[%swap3A_41, %swap3A_42] : memref<2528x64xf32, #tpu.memory_space<vmem>>, vector<2528x64xf32>
    tpu.vector_store %arg9[%swap3A_41, %swap3A_42], %add3A_40 {strides = array<i32>} : memref<2528x64xf32, #tpu.memory_space<vmem>>, vector<2528x64xf32>,
    return
  }
  func.func @transform_0(%arg0: i32) -> (i32, i32, i32) {
    %c0_i32 = arith.constant 0 : i32
    %c0_i32_0 = arith.constant 0 : i32
    %c0_i32_1 = arith.constant 0 : i32
    return %c0_i32, %arg0, %c0_i32_0 : i32, i32, i32
  }
  func.func @transform_1(%arg0: i32) -> (i32, i32, i32) {
    %c1_i32 = arith.constant 1 : i32
    %c0_i32 = arith.constant 0 : i32
    %c0_i32_0 = arith.constant 0 : i32
    return %c1_i32, %arg0, %c0_i32 : i32, i32, i32
  }
  func.func @transform_2(%arg0: i32) -> (i32, i32) {
    %c0_i32 = arith.constant 0 : i32
    %c0_i32_0 = arith.constant 0 : i32
    return %arg0, %c0_i32 : i32, i32
  }
  func.func @transform_3(%arg0: i32) -> (i32, i32) {
    %c0_i32 = arith.constant 0 : i32
    %c0_i32_0 = arith.constant 0 : i32
    %c0_i32_1 = arith.constant 0 : i32
    return %c0_i32, %c0_i32_0 : i32, i32
  }
  func.func @transform_4(%arg0: i32) -> (i32, i32) {
    %c0_i32 = arith.constant 0 : i32
    %c0_i32_0 = arith.constant 0 : i32
    %c0_i32_1 = arith.constant 0 : i32
    return %c0_i32, %c0_i32_0 : i32, i32
  }
  func.func @transform_5(%arg0: i32) -> (i32, i32) {
    %c0_i32 = arith.constant 0 : i32
    %c0_i32_0 = arith.constant 0 : i32
    %c0_i32_1 = arith.constant 0 : i32
    return %c0_i32, %c0_i32_0 : i32, i32
  }
  func.func @transform_6(%arg0: i32) -> (i32, i32) {
    %c0_i32 = arith.constant 0 : i32
    %c0_i32_0 = arith.constant 0 : i32
    %c0_i32_1 = arith.constant 0 : i32
    return %c0_i32, %c0_i32_0 : i32, i32
  }
  func.func @transform_7(%arg0: i32) -> (i32, i32) {
    %c0_i32 = arith.constant 0 : i32
    %c0_i32_0 = arith.constant 0 : i32
    return %arg0, %c0_i32 : i32, i32
  }
  func.func @transform_8(%arg0: i32) -> (i32, i32) {
    %c0_i32 = arith.constant 0 : i32
    %c0_i32_0 = arith.constant 0 : i32
    return %arg0, %c0_i32 : i32, i32
  }
}

module attributes {stable_mosaic.version = 14 : i64} {
  func.func @_post_body(%arg0: i32, %arg1: memref<1x2528x128xf32, #tpu.memory_space<vmem>>, %arg2: memref<1x2528x128xf32, #tpu.memory_space<vmem>>, %arg3: memref<2528x64xf32, #tpu.memory_space<vmem>>, %arg4: memref<3x64xf32, #tpu.memory_space<vmem>>, %arg5: memref<1x3xf32, #tpu.memory_space<vmem>>, %arg6: memref<2528x3xf32, #tpu.memory_space<vmem>>) attributes {dimension_semantics = [#tpu.dimension_semantics<arbitrary>], iteration_bounds = array<i64: 4>, scalar_prefetch = 0 : i64, scratch_operands = 0 : i64, tpu.core_type = #tpu.core_type<tc>, window_params = [{transform_indices = @transform_0, window_bounds = array<i64: 1, 2528, 128>}, {transform_indices = @transform_1, window_bounds = array<i64: 1, 2528, 128>}, {transform_indices = @transform_2, window_bounds = array<i64: 2528, 64>}, {pipeline_mode = #tpu.pipeline_mode<synchronous>, transform_indices = @transform_3, window_bounds = array<i64: 3, 64>}, {pipeline_mode = #tpu.pipeline_mode<synchronous>, transform_indices = @transform_4, window_bounds = array<i64: 1, 3>}, {transform_indices = @transform_5, window_bounds = array<i64: 2528, 3>}]} {
    %get3A = arith.constant 0 : index
    %get3A_0 = arith.constant 0 : index
    %get3A_1 = arith.constant 0 : index
    %get3A_2 = vector.load %arg1[%get3A, %get3A_0, %get3A_1] : memref<1x2528x128xf32, #tpu.memory_space<vmem>>, vector<1x2528x128xf32>
    %get3A_3 = vector.shape_cast %get3A_2 : vector<1x2528x128xf32> to vector<2528x128xf32>
    %get3A_4 = arith.constant 0 : index
    %get3A_5 = arith.constant 0 : index
    %get3A_6 = arith.constant 0 : index
    %get3A_7 = vector.load %arg2[%get3A_4, %get3A_5, %get3A_6] : memref<1x2528x128xf32, #tpu.memory_space<vmem>>, vector<1x2528x128xf32>
    %get3A_8 = vector.shape_cast %get3A_7 : vector<1x2528x128xf32> to vector<2528x128xf32>
    %add3A = arith.addf %get3A_3, %get3A_8 : vector<2528x128xf32>
    %slice3A = vector.extract_strided_slice %add3A {offsets = [0, 64], sizes = [2528, 1], strides = [1, 1]} : vector<2528x128xf32> to vector<2528x1xf32>
    %max3A = arith.constant 1.000000e+00 : f32
    %max3A_9 = vector.broadcast %max3A : f32 to vector<2528x1xf32>
    %max3A_10 = arith.maximumf %slice3A, %max3A_9 : vector<2528x1xf32>
    %slice3A_11 = vector.extract_strided_slice %add3A {offsets = [0, 0], sizes = [2528, 64], strides = [1, 1]} : vector<2528x128xf32> to vector<2528x64xf32>
    %div3A = vector.broadcast %max3A_10 : vector<2528x1xf32> to vector<2528x64xf32>
    %div3A_12 = arith.divf %slice3A_11, %div3A : vector<2528x64xf32>
    %get3A_13 = arith.constant 0 : index
    %get3A_14 = arith.constant 0 : index
    %get3A_15 = vector.load %arg3[%get3A_13, %get3A_14] : memref<2528x64xf32, #tpu.memory_space<vmem>>, vector<2528x64xf32>
    %add3A_16 = arith.addf %div3A_12, %get3A_15 : vector<2528x64xf32>
    %max3A_17 = arith.constant 0.000000e+00 : f32
    %max3A_18 = vector.broadcast %max3A_17 : f32 to vector<2528x64xf32>
    %max3A_19 = arith.maximumf %add3A_16, %max3A_18 : vector<2528x64xf32>
    %get3A_20 = arith.constant 0 : index
    %get3A_21 = arith.constant 0 : index
    %get3A_22 = vector.load %arg4[%get3A_20, %get3A_21] : memref<3x64xf32, #tpu.memory_space<vmem>>, vector<3x64xf32>
    %dot_general3A = arith.constant dense<0.000000e+00> : vector<2528x3xf32>
    %dot_general3A_23 = tpu.matmul %max3A_19, %get3A_22, %dot_general3A {dimension_numbers = #tpu.dot_dimension_numbers<[1], [1], [0], [0], [0, 0, 1, 0], [], []>, transpose_lhs_hint = false} : vector<2528x64xf32>, vector<3x64xf32>, vector<2528x3xf32> -> vector<2528x3xf32>
    %get3A_24 = arith.constant 0 : index
    %get3A_25 = arith.constant 0 : index
    %get3A_26 = vector.load %arg5[%get3A_24, %get3A_25] : memref<1x3xf32, #tpu.memory_space<vmem>>, vector<1x3xf32>
    %add3A_27 = vector.broadcast %get3A_26 : vector<1x3xf32> to vector<2528x3xf32>
    %add3A_28 = arith.addf %dot_general3A_23, %add3A_27 : vector<2528x3xf32>
    %swap3A = arith.constant 0 : index
    %swap3A_29 = arith.constant 0 : index
    %swap3A_30 = vector.load %arg6[%swap3A, %swap3A_29] : memref<2528x3xf32, #tpu.memory_space<vmem>>, vector<2528x3xf32>
    tpu.vector_store %arg6[%swap3A, %swap3A_29], %add3A_28 {strides = array<i32>} : memref<2528x3xf32, #tpu.memory_space<vmem>>, vector<2528x3xf32>,
    return
  }
  func.func @transform_0(%arg0: i32) -> (i32, i32, i32) {
    %c0_i32 = arith.constant 0 : i32
    %c0_i32_0 = arith.constant 0 : i32
    %c0_i32_1 = arith.constant 0 : i32
    return %c0_i32, %arg0, %c0_i32_0 : i32, i32, i32
  }
  func.func @transform_1(%arg0: i32) -> (i32, i32, i32) {
    %c1_i32 = arith.constant 1 : i32
    %c0_i32 = arith.constant 0 : i32
    %c0_i32_0 = arith.constant 0 : i32
    return %c1_i32, %arg0, %c0_i32 : i32, i32, i32
  }
  func.func @transform_2(%arg0: i32) -> (i32, i32) {
    %c0_i32 = arith.constant 0 : i32
    %c0_i32_0 = arith.constant 0 : i32
    return %arg0, %c0_i32 : i32, i32
  }
  func.func @transform_3(%arg0: i32) -> (i32, i32) {
    %c0_i32 = arith.constant 0 : i32
    %c0_i32_0 = arith.constant 0 : i32
    %c0_i32_1 = arith.constant 0 : i32
    return %c0_i32, %c0_i32_0 : i32, i32
  }
  func.func @transform_4(%arg0: i32) -> (i32, i32) {
    %c0_i32 = arith.constant 0 : i32
    %c0_i32_0 = arith.constant 0 : i32
    %c0_i32_1 = arith.constant 0 : i32
    return %c0_i32, %c0_i32_0 : i32, i32
  }
  func.func @transform_5(%arg0: i32) -> (i32, i32) {
    %c0_i32 = arith.constant 0 : i32
    %c0_i32_0 = arith.constant 0 : i32
    return %arg0, %c0_i32 : i32, i32
  }
}

</mosaic_0001>

<sc_bundles>
// kernel: kernel.12.cloned.1.call-start
scs
__scs_entry_jumppad:
0x0: {  	(pc) =	sbr.rel $0x88, $3  }
0x1: {  	(tag) =	ssettag $0x0;
	lr =	simm.s32 $0x1  }
0x2: {  	[smem:$0x3F94] =	sst lr;
	_ =	strace $0xD0000000  }
0x3: {  	_ = 	snop  }
0x4: {  	_ = 	snop  }
0x5: {  	_ = 	snop  }
0x6: {  	_ = 	snop  }
0x7: {  	_ = 	snop  }
__scs_overlays_trampoline_lowered:
0x8: {  	[smem:$0x3FA3] =	sst s0  }
0x9: {  	[smem:$0x3FA4] =	sst s1  }
0xa: {  	[smem:$0x3FA5] =	sst s2  }
0xb: {  	[smem:$0x3FA6] =	sst s3  }
0xc: {  	[smem:$0x3FA7] =	sst s4  }
0xd: {  	[smem:$0x3FA8] =	sst s5  }
0xe: {  	[smem:$0x3FA9] =	sst s6  }
0xf: {  	[smem:$0x3FAA] =	sst s7  }
0x10: {  	[smem:$0x3FAB] =	sst s8  }
0x11: {  	[smem:$0x3FAC] =	sst s9;
	s0 =	simm.s32 @!p0 $0x0  }
0x12: {  	s1 =	sld [smem:$0x3F92];
	s0 =	simm.s32 @p0 $0x1  }
0x13: {  	[smem:$0x3FAD] =	sst s0;
	s0 =	simm.s32 @!p1 $0x0  }
0x14: {  	s2 =	sld [smem:$0x3F91];
	s0 =	simm.s32 @p1 $0x1  }
0x15: {  	[smem:$0x3FAE] =	sst s0;
	s0 =	simm.s32 @!p2 $0x0  }
0x16: {  	s3 =	sld [smem:$0x3FDB];
	s0 =	simm.s32 @p2 $0x1  }
0x17: {  	s4 =	simm.s32 $0x1BF5;
	[smem:$0x3FB0] =	sst s0  }
0x18: {  	s0 =	sld [smem:$0x3F93];
	_ =	swait.ge [sflag:s4], $0x0  }
0x19: {  	s7 =	sld [smem:$0x3F94]  }
0x1a: {  	s8 =	sadd.s32 $0xFFFFE003, lr  }
0x1b: {  	s9 =	sadd.s32 $0xFFFFFEF7, lr;
	s5 =	simm.s32 $0xFFFFFFFF;
	p2 =	slt.u32 s8, $0xFFFFF086  }
0x1c: {  	p1 =	slt.u32 s9, $0xF7A;
	s5 =	simm.s32 @!p2 $0x0  }
0x1d: {  	s5 =	simm.s32 @p1 $0x1;
	p0 =	seq.s32 s7, s2  }
0x1e: {  	s7 =	smul.u32 @!p0 $0xF7A, s2;
	p2 =	seq.s32 @!p0 s5, $0x0  }
0x1f: {  	s9 =	smul.u32 $0xF7A, s1;
	s8 =	simm.s32 @!p0 $0x1BF5;
	p2 =	por !p2, p0  }
0x20: {  	[sflag:s8] =	ssyncset.s32 @!p0 $0xFFFFF086;
	s6 =	sadd.s32 @!p0 s3, s7;
	s7 =	simm.s32 @!p0 $0x108  }
0x21: {  	s3 =	sadd.s32 s3, s9;
	s6 =	sadd.s32 @!p0 $0x88, s6;
	s7 =	simm.s32 @p2 $0x1082  }
0x22: {  	[simem:s7], [sflag:s8] =	dma.local @!p0 [hbm:s6], $0xF7A  }
0x23: {  	s9 =	sor.u32 $0xD0000000, s2;
	s6 =	simm.s32 $0x108;
	_ =	swait.ge @!p0 [sflag:s8], $0x0  }
0x24: {  	s3 =	sadd.s32 $0x88, s3;
	s6 =	simm.s32 @!p1 $0x1082;
	[sflag:s4] =	ssyncset.s32 $0xFFFFF086  }
0x25: {  	[simem:s6], [sflag:s4] =	dma.local [hbm:s3], $0xF7A  }
0x26: {  	[smem:$0x3F94] =	sst s1;
	(tag) =	ssettag s2;
	_ =	strace s9  }
0x27: {  	s1 =	sld [smem:$0x3FA4]  }
0x28: {  	s2 =	sld [smem:$0x3FA5]  }
0x29: {  	s4 =	sld [smem:$0x3FA7]  }
0x2a: {  	p0 =	seq.s32 s5, $0x0;
	s5 =	sld [smem:$0x3FA8]  }
0x2b: {  	s6 =	sld [smem:$0x3FA9]  }
0x2c: {  	s7 =	sld [smem:$0x3FAA]  }
0x2d: {  	s3 =	simm.s32 $0x108;
	s8 =	sld [smem:$0x3FAB]  }
0x2e: {  	s3 =	simm.s32 @!p0 $0x1082;
	s9 =	sld [smem:$0x3FAC]  }
0x2f: {  	lr =	sadd.s32 s0, s3;
	s0 =	sld [smem:$0x3FA3]  }
0x30: {  	s3 =	sld [smem:$0x3FA6]  }
0x31: {  	[smem:$0x3FAF] =	sst s10  }
0x32: {  	s10 =	sld [smem:$0x3FAD];
	_ =	sdelay $0x3  }
0x33: {  	p0 =	seq.s32 s10, $0x1;
	s10 =	sld [smem:$0x3FAF];
	_ =	sdelay $0x3  }
0x34: {  	[smem:$0x3FAF] =	sst s10  }
0x35: {  	s10 =	sld [smem:$0x3FAE];
	_ =	sdelay $0x3  }
0x36: {  	p1 =	seq.s32 s10, $0x1;
	s10 =	sld [smem:$0x3FAF];
	_ =	sdelay $0x3  }
0x37: {  	[smem:$0x3FAF] =	sst s10  }
0x38: {  	s10 =	sld [smem:$0x3FB0]  }
0x39: {  	_ = 	snop;
	(pc) =	sbr.ind lr, $3  }
0x3a: {  	_ = 	snop  }
0x3b: {  	_ = 	snop  }
0x3c: {  	p2 =	seq.s32 s10, $0x1;
	s10 =	sld [smem:$0x3FAF]  }
0x3d: {  	_ =	shalt  }
0x3e: {  	_ =	shalt  }
0x3f: {  	_ =	shalt  }
0x40: {  	_ =	shalt  }
0x41: {  	_ =	shalt  }
0x42: {  	_ =	shalt  }
0x43: {  	_ =	shalt  }
0x44: {  	_ =	shalt  }
0x45: {  	_ =	shalt  }
0x46: {  	_ =	shalt  }
0x47: {  	_ =	shalt  }
0x48: {  	_ =	shalt  }
0x49: {  	_ =	shalt  }
0x4a: {  	_ =	shalt  }
0x4b: {  	_ =	shalt  }
0x4c: {  	_ =	shalt  }
0x4d: {  	_ =	shalt  }
0x4e: {  	_ =	shalt  }
0x4f: {  	_ =	shalt  }
0x50: {  	_ =	shalt  }
0x51: {  	_ =	shalt  }
0x52: {  	_ =	shalt  }
0x53: {  	_ =	shalt  }
0x54: {  	_ =	shalt  }
0x55: {  	_ =	shalt  }
0x56: {  	_ =	shalt  }
0x57: {  	_ =	shalt  }
0x58: {  	_ =	shalt  }
0x59: {  	_ =	shalt  }
0x5a: {  	_ =	shalt  }
0x5b: {  	_ =	shalt  }
0x5c: {  	_ =	shalt  }
0x5d: {  	_ =	shalt  }
0x5e: {  	_ =	shalt  }
0x5f: {  	_ =	shalt  }
0x60: {  	_ =	shalt  }
0x61: {  	_ =	shalt  }
0x62: {  	_ =	shalt  }
0x63: {  	_ =	shalt  }
0x64: {  	_ =	shalt  }
0x65: {  	_ =	shalt  }
0x66: {  	_ =	shalt  }
0x67: {  	_ =	shalt  }
0x68: {  	_ =	shalt  }
0x69: {  	_ =	shalt  }
0x6a: {  	_ =	shalt  }
0x6b: {  	_ =	shalt  }
0x6c: {  	_ =	shalt  }
0x6d: {  	_ =	shalt  }
0x6e: {  	_ =	shalt  }
0x6f: {  	_ =	shalt  }
0x70: {  	_ =	shalt  }
0x71: {  	_ =	shalt  }
0x72: {  	_ =	shalt  }
0x73: {  	_ =	shalt  }
0x74: {  	_ =	shalt  }
0x75: {  	_ =	shalt  }
0x76: {  	_ =	shalt  }
0x77: {  	_ =	shalt  }
0x78: {  	_ =	shalt  }
0x79: {  	_ =	shalt  }
0x7a: {  	_ =	shalt  }
0x7b: {  	_ =	shalt  }
0x7c: {  	_ =	shalt  }
0x7d: {  	_ =	shalt  }
0x7e: {  	_ =	shalt  }
0x7f: {  	_ =	shalt  }
0x80: {  	_ =	shalt  }
0x81: {  	_ =	shalt  }
0x82: {  	_ =	shalt  }
0x83: {  	_ =	shalt  }
0x84: {  	_ =	shalt  }
0x85: {  	_ =	shalt  }
0x86: {  	_ =	shalt  }
0x87: {  	_ =	shalt  }
.Lfunc_end0:
.L_simem_size_0:
called_computation.1_lowered:
.L_overlay_start_0:
0x88: {  	s2 =	sld [smem:$0x3FD9]  }
0x89: {  	s3 =	sld [smem:$0x3FFE];
	_ =	sdelay $0x1  }
0x8a: {  	s1 =	srdreg.scid  }
0x8b: {  	s0 =	sand.u32 $0x1, s1  }
0x8c: {  	s16 =	sshll.u32 s0, $0xA;
	s2 =	sadd.s32 s3, s2  }
0x8d: {  	s2 =	sadd.s32 s2, s16  }
0x8e: {  	[smem:$0x3FBB] =	sst s2  }
0x8f: {  	_ = 	snop  }
0x90: {  	(tm) =	ssettm $0x1  }
0x91: {  	s17 =	sld [smem:$0x3FFB];
	_ =	sdelay $0x3  }
0x92: {  	_ =	strace s17  }
0x93: {  	s2 =	sld [smem:$0x3FFC];
	_ =	sdelay $0x3  }
0x94: {  	_ =	strace s2  }
0x95: {  	s2 =	sld [smem:$0x3FFD];
	_ =	sdelay $0x3  }
0x96: {  	_ =	strace s2  }
0x97: {  	_ =	strace $0x8FFFFFFF  }
0x98: {  	s18 =	sld [smem:$0x3FDB];
	_ =	sdelay $0x1  }
0x99: {  	s19 =	simm.s32 $_scs_section_size  }
0x9a: {  	s4 =	simm.s32 $_size__tile_overlayer_lowered;
	s5 =	simm.s32 $_tile_overlayer_lowered  }
0x9b: {  	s22 =	simm.s32 $0x1BFF;
	s21 =	sshll.u32 s5, $0x1;
	s2 =	sadd.s32 s19, s18  }
0x9c: {  	s6 =	simm.s32 $0x0;
	s20 =	sshll.u32 s4, $0x1;
	s4 =	sadd.s32 s21, s2  }
0x9d: {  	[timem:s6], [sflag:s22] =	dma.local [hbm:s4], s20  }
0x9e: {  	_ =	swait.ge [sflag:s22], s20  }
0x9f: {  	s3 =	ssub.s32 $0x0, s20;
	[sflag:s22] =	ssyncset.done $0x0  }
0xa0: {  	[sflag:s22] =	ssyncadd.s32 s3;
	_ =	sdelay $0x1  }
0xa1: {  	s23 =	simm.s32 $0x1B8B  }
0xa2: {  	_ =	swait.ge [sflag:s23], $0x1  }
0xa3: {  	[sflag:s23] =	ssyncset.done $0x0  }
0xa4: {  	s25 =	simm.s32 $0x1B8E;
	s24 =	sld [smem:$0x3FFE];
	[sflag:s23] =	ssyncadd.s32 $0xFFFFFFFF  }
0xa5: {  	s26 =	simm.s32 $execute0_lowered;
	[smem:$0x3FD2] =	sst s25  }
0xa6: {  	s4 =	sshll.u32 s26, $0x1;
	_ =	strace $0x80000049;
	[dreg:$0x1] =	wrdreg $0xFFFFFFFF  }
0xa7: {  	s28 =	simm.s32 $_size_execute0_lowered;
	s2 =	sadd.s32 s2, s4;
	[dreg:$0x0] =	wrdreg $0x0  }
0xa8: {  	s4 =	sshll.u32 s28, $0x1;
	[dreg:$0x2] =	wrdreg s2  }
0xa9: {  	[dreg:$0x3] =	wrdreg s4  }
0xaa: {  	[dreg:$0x4] =	wrdreg $0xC0  }
0xab: {  	_ =	task [dreg:s6], $0x5FFFF  }
0xac: {  	[dreg:$0x1] =	wrdreg $0xFFFFFFFF  }
0xad: {  	[dreg:$0x0] =	wrdreg $0x60  }
0xae: {  	[dreg:$0x2] =	wrdreg s24  }
0xaf: {  	[dreg:$0x3] =	wrdreg $0x0  }
0xb0: {  	[dreg:$0x4] =	wrdreg $0x9  }
0xb1: {  	_ =	task.clear_ibuf [dreg:s6], $0x5FFFF;
	_ =	strace $0x90000049  }
0xb2: {  	s29 =	simm.s32 $0x9;
	_ =	strace $0x8000004B  }
0xb3: {  	_ =	swait.ge [sflag:s29], $0x1  }
0xb4: {  	[sflag:s29] =	ssyncadd.s32 $0xFFFFFFFF  }
0xb5: {  	_ =	strace $0x9000004B  }
0xb6: {  	_ =	sfence  }
0xb7: {  	s30 =	sld [smem:$0x0];
	_ =	sdelay $0x2  }
0xb8: {  	s31 =	sshll.u32 s1, $0xD;
	s1 =	sshrl.u32 s1, $0x2  }
0xb9: {  	s3 =	sand.u32 $0x4000, s31;
	s1 =	sadd.s32 s1, s30  }
0xba: {  	s0 =	sor.u32 s3, s0;
	s1 =	sshll.u32 s1, $0x11  }
0xbb: {  	s0 =	sor.u32 s1, s0  }
0xbc: {  	s0 =	sadd.s32 $0x8F2B, s0  }
0xbd: {  	[sflag:s0] =	ssyncadd.remote.s32 $0x1  }
0xbe: {  	_ =	sfence.sel $0xFFFF  }
0xbf: {  	[dreg:$0x0] =	wrdreg $0xFFFFFFFF;
	(pc) =	sbr.abs _section_cstart, $3  }
0xc0: {  	[dreg:$0x1] =	wrdreg $0xFFFFFFFF  }
0xc1: {  	_ =	task.clear_ibuf [dreg:s6], $0x2FFFF;
	_ =	strace $0x9FFFFFFF  }
0xc2: {  	(tm) =	ssettm $0x7FFFFFFF  }
0xc3: {  	_ =	shalt  }
tec
execute0_lowered:
.L_overlay_start_1:
0x0: {  	(tag) =	ssettag $0x1  }
0x1: {  	s5 =	rddreg [dreg:$0x0]  }
0x2: {  	s2 =	rddreg [dreg:$0x1]  }
0x3: {  	s0 =	rddreg [dreg:$0x2];
	s3 =	simm.s32 $0x0;
	s1 =	stileid.u32  }
0x4: {  	s4 =	srdreg.scid;
	s21 =	simm.s32 $0x13C80;
	s6 =	smul.u32 $0x9E0, s1  }
0x5: {  	s22 =	simm.s32 $0x80;
	s23 =	simm.s32 $0x1;
	s7 =	smul.u32 $0x4F000, s1  }
0x6: {  	[smem:$0x7FF] =	sst s3;
	s12 =	sand.u32 $0x1, s4;
	s9 =	smul.u32 $0x13C00, s1  }
0x7: {  	s4 =	sadd.s32 $0x16400, s5;
	s14 =	sadd.s32 $0x3DC00, s5;
	s13 =	smul.u32 $0x13C000, s12  }
0x8: {  	_ =	strace $0x8000004A;
	s24 =	ssub.s32 $0x2, s12;
	s29 =	smul.u32 $0x4F0, s12  }
0x9: {  	s16 =	sadd.s32 s6, s5;
	s8 =	sshrl.u32 s24, $0x1;
	s7 =	sshrl.u32 s7, $0x2  }
0xa: {  	s10 =	sadd.s32 $0x4000, s9;
	s11 =	sadd.s32 $0x8000, s9;
	s17 =	sadd.s32 $0xC000, s9  }
0xb: {  	s18 =	sadd.s32 $0x10000, s9;
	s15 =	ssub.s32 s24, s8;
	s5 =	sadd.s32 s7, s2  }
0xc: {  	s6 =	sadd.s32 s10, s2;
	s7 =	sadd.s32 s11, s2;
	s8 =	sadd.s32 s17, s2  }
0xd: {  	s19 =	sadd.s32 s9, s13;
	s9 =	sadd.s32 s18, s2;
	s20 =	sadd.s32 s13, s10  }
0xe: {  	s26 =	sadd.s32 s13, s11;
	s17 =	sadd.s32 s13, s17;
	s18 =	sadd.s32 s13, s18  }
0xf: {  	s31 =	sadd.s32 s29, s16;
	s24 =	simm.s32 $0x0;
	s19 =	sshrl.u32 s19, $0x3  }
0x10: {  	s25 =	sshrl.u32 s20, $0x3;
	s28 =	sshrl.u32 s26, $0x3;
	s17 =	sshrl.u32 s17, $0x3  }
0x11: {  	s30 =	sshrl.u32 s18, $0x3;
	s15 =	smax.u32 s15, $0x1;
	s16 =	sadd.s32 $0xC600, s31  }
0x12: {  	s18 =	simm.s32 $0x13D00;
	s20 =	simm.s32 $0x13C00;
	s10 =	sadd.s32 s14, s19  }
0x13: {  	s11 =	sadd.s32 s14, s25;
	s12 =	sadd.s32 s14, s28;
	s13 =	sadd.s32 s14, s17  }
0x14: {  	v0 =	vimm.f32 $0.0e+00;
	s14 =	sadd.s32 s14, s30;
	s17 =	sadd.s32 $0x2800, s31;
	s19 =	simm.s32 $0x2  }
.LBB2_1:
0x15: {  	s25 =	simm.s32 $0x0;
	s26 =	simm.s32 $0x200  }
.LBB2_2:
0x16: {  	p0 =	sne.s32 s26, $0xFE00;
	[tilespmem:s25+$0x13D70] =	vst v0  }
0x17: {  	[tilespmem:s25+$0x13D00] =	vst v0  }
0x18: {  	[tilespmem:s25+$0x13D10] =	vst v0  }
.Ltmp0:
0x19: {  	[tilespmem:s25+$0x13D20] =	vst v0;
	(pc) =	sbr.rel @p0 .LBB2_2-.Ltmp0, $4  }
0x1a: {  	[tilespmem:s25+$0x13D30] =	vst v0  }
0x1b: {  	[tilespmem:s25+$0x13D40] =	vst v0  }
0x1c: {  	[tilespmem:s25+$0x13D50] =	vst v0  }
0x1d: {  	[tilespmem:s25+$0x13D60] =	vst v0;
	s25 =	sshra.s32 s26, $0x2;
	s26 =	sadd.s32 $0x200, s26  }
0x1e: {  	[tilespmem:s25+$0x13D70] =	vst v0  }
0x1f: {  	[tilespmem:s25+$0x13D00] =	vst v0  }
0x20: {  	[tilespmem:s25+$0x13D10] =	vst v0  }
0x21: {  	[tilespmem:s25+$0x13D20] =	vst v0  }
0x22: {  	[tilespmem:s25+$0x13D30] =	vst v0  }
0x23: {  	[tilespmem:s25+$0x13D40] =	vst v0  }
0x24: {  	[tilespmem:s25+$0x13D50] =	vst v0  }
0x25: {  	[tilespmem:s25+$0x13D60] =	vst v0  }
0x26: {  	[spmem:s5] =	stream.linear.scatter [tilespmem:s18], [sflag:$0x2], $0x4000, $0x38;
	[tilespmem:$0x17D00] =	vst v63  }
0x27: {  	_ =	swait.ge [sflag:s19], $0x4000  }
0x28: {  	[sflag:s19] =	ssyncset.done $0x0  }
0x29: {  	[sflag:s19] =	ssyncadd.s32 $0xFFFFC000  }
0x2a: {  	[spmem:s6] =	stream.linear.scatter [tilespmem:s18], [sflag:$0x2], $0x4000, $0x38;
	[tilespmem:$0x17D00] =	vst v63  }
0x2b: {  	_ =	swait.ge [sflag:s19], $0x4000  }
0x2c: {  	[sflag:s19] =	ssyncset.done $0x0  }
0x2d: {  	[sflag:s19] =	ssyncadd.s32 $0xFFFFC000  }
0x2e: {  	[spmem:s7] =	stream.linear.scatter [tilespmem:s18], [sflag:$0x2], $0x4000, $0x38;
	[tilespmem:$0x17D00] =	vst v63  }
0x2f: {  	_ =	swait.ge [sflag:s19], $0x4000  }
0x30: {  	[sflag:s19] =	ssyncset.done $0x0  }
0x31: {  	[sflag:s19] =	ssyncadd.s32 $0xFFFFC000  }
0x32: {  	[spmem:s8] =	stream.linear.scatter [tilespmem:s18], [sflag:$0x2], $0x4000, $0x38;
	[tilespmem:$0x17D00] =	vst v63  }
0x33: {  	_ =	swait.ge [sflag:s19], $0x4000  }
0x34: {  	[sflag:s19] =	ssyncset.done $0x0  }
0x35: {  	[sflag:s19] =	ssyncadd.s32 $0xFFFFC000  }
0x36: {  	[spmem:s9] =	stream.linear.scatter [tilespmem:s18], [sflag:$0x2], $0x3C00, $0x38;
	[tilespmem:$0x17D00] =	vst v63  }
0x37: {  	_ =	swait.ge [sflag:s19], $0x3C00  }
0x38: {  	[sflag:s19] =	ssyncset.done $0x0  }
0x39: {  	[sflag:s19] =	ssyncadd.s32 $0xFFFFC400  }
0x3a: {  	s30 =	sadd.s32 $0x0, s17;
	[bflag:$0x0] =	sbarrier.arrive $0xFFFF  }
0x3b: {  	[tilespmem:s20], [sflag:$0x2] =	stream.linear.gather [hbm4b:s30+s3], $0x80, $0x38;
	[tilespmem:$0x17D00] =	vst v63  }
0x3c: {  	_ =	swait.ge [sflag:s19], $0x80  }
0x3d: {  	[sflag:s19] =	ssyncset.done $0x0  }
0x3e: {  	s31 =	sadd.s32 $0x0, s16;
	[sflag:s19] =	ssyncadd.s32 $0xFFFFFF80  }
0x3f: {  	[tilespmem:s21], [sflag:$0x2] =	stream.linear.gather [hbm4b:s31+s3], $0x80, $0x38;
	[tilespmem:$0x17D00] =	vst v63  }
0x40: {  	_ =	swait.ge [sflag:s19], $0x80  }
0x41: {  	[sflag:s19] =	ssyncset.done $0x0  }
0x42: {  	[sflag:s19] =	ssyncadd.s32 $0xFFFFFF80  }
0x43: {  	[tilespmem:s18], [sflag:$0x1] =	stream.indirect.gather [hbm4b:s4+s22], $0x80, s20, s22, $0xb8;
	[tilespmem:$0x17D00] =	vst v63  }
0x44: {  	_ =	swait.ge [sflag:s23], $0x4000  }
0x45: {  	[sflag:s23] =	ssyncset.done $0x0  }
0x46: {  	[sflag:s23] =	ssyncadd.s32 $0xFFFFC000  }
0x47: {  	[spmem:s2] =	stream.indirect.scatter.add.f32 [tilespmem:s18], [sflag:$0x2], $0x80, s21, s22, $0xb8;
	[tilespmem:$0x17D00] =	vst v63  }
0x48: {  	_ =	swait.ge [sflag:s19], $0x4000  }
0x49: {  	s25 =	simm.s32 $0x10;
	s26 =	simm.s32 $0x20;
	[sflag:s19] =	ssyncset.done $0x0  }
.LBB2_4:
0x4a: {  	s28 =	sadd.s32 s25, s17  }
0x4b: {  	[sflag:s19] =	ssyncadd.s32 $0xFFFFC000;
	s29 =	smov.u32 s26;
	s30 =	sadd.s32 $0x10, s26  }
0x4c: {  	[tilespmem:s20], [sflag:$0x2] =	stream.linear.gather [hbm4b:s28+s3], $0x80, $0x38;
	[tilespmem:$0x17D00] =	vst v63  }
0x4d: {  	p0 =	sne.s32 s26, $0x4E0;
	_ =	swait.ge [sflag:s19], $0x80  }
0x4e: {  	[sflag:s19] =	ssyncset.done $0x0  }
0x4f: {  	s26 =	sadd.s32 s25, s16;
	s25 =	smov.u32 s29;
	[sflag:s19] =	ssyncadd.s32 $0xFFFFFF80  }
0x50: {  	[tilespmem:s21], [sflag:$0x2] =	stream.linear.gather [hbm4b:s26+s3], $0x80, $0x38;
	[tilespmem:$0x17D00] =	vst v63  }
0x51: {  	_ =	swait.ge [sflag:s19], $0x80  }
0x52: {  	[sflag:s19] =	ssyncset.done $0x0  }
0x53: {  	[sflag:s19] =	ssyncadd.s32 $0xFFFFFF80  }
0x54: {  	[tilespmem:s18], [sflag:$0x1] =	stream.indirect.gather [hbm4b:s4+s22], $0x80, s20, s22, $0xb8;
	[tilespmem:$0x17D00] =	vst v63  }
0x55: {  	_ =	swait.ge [sflag:s23], $0x4000  }
.Ltmp1:
0x56: {  	[sflag:s23] =	ssyncset.done $0x0;
	(pc) =	sbr.rel @p0 .LBB2_4-.Ltmp1, $4  }
0x57: {  	[sflag:s23] =	ssyncadd.s32 $0xFFFFC000  }
0x58: {  	[spmem:s2] =	stream.indirect.scatter.add.f32 [tilespmem:s18], [sflag:$0x2], $0x80, s21, s22, $0xb8;
	[tilespmem:$0x17D00] =	vst v63  }
0x59: {  	_ =	swait.ge [sflag:s19], $0x4000  }
0x5a: {  	s26 =	smov.u32 s30;
	[sflag:s19] =	ssyncset.done $0x0  }
0x5b: {  	s26 =	sadd.s32 s25, s17;
	[sflag:s19] =	ssyncadd.s32 $0xFFFFC000  }
0x5c: {  	[tilespmem:s20], [sflag:$0x2] =	stream.linear.gather [hbm4b:s26+s3], $0x80, $0x38;
	[tilespmem:$0x17D00] =	vst v63  }
0x5d: {  	_ =	swait.ge [sflag:s19], $0x80  }
0x5e: {  	[sflag:s19] =	ssyncset.done $0x0  }
0x5f: {  	s29 =	sadd.s32 s25, s16;
	[sflag:s19] =	ssyncadd.s32 $0xFFFFFF80  }
0x60: {  	[tilespmem:s21], [sflag:$0x2] =	stream.linear.gather [hbm4b:s29+s3], $0x80, $0x38;
	[tilespmem:$0x17D00] =	vst v63  }
0x61: {  	_ =	swait.ge [sflag:s19], $0x80  }
0x62: {  	[sflag:s19] =	ssyncset.done $0x0  }
0x63: {  	[sflag:s19] =	ssyncadd.s32 $0xFFFFFF80  }
0x64: {  	[tilespmem:s18], [sflag:$0x1] =	stream.indirect.gather [hbm4b:s4+s22], $0x80, s20, s22, $0xb8;
	[tilespmem:$0x17D00] =	vst v63  }
0x65: {  	_ =	swait.ge [sflag:s23], $0x4000  }
0x66: {  	[sflag:s23] =	ssyncset.done $0x0  }
0x67: {  	[sflag:s23] =	ssyncadd.s32 $0xFFFFC000  }
0x68: {  	[spmem:s2] =	stream.indirect.scatter.add.f32 [tilespmem:s18], [sflag:$0x2], $0x80, s21, s22, $0xb8;
	[tilespmem:$0x17D00] =	vst v63  }
0x69: {  	_ =	swait.ge [sflag:s19], $0x4000  }
0x6a: {  	[sflag:s19] =	ssyncset.done $0x0  }
0x6b: {  	s30 =	sshll.u32 s1, $0x6;
	[sflag:s19] =	ssyncadd.s32 $0xFFFFC000  }
0x6c: {  	s31 =	sshrl.u32 s5, $0x3;
	s25 =	sor.u32 $0x1C02, s30;
	[bflag:$0x0] =	sbarrier.arrive $0xFFFF  }
0x6d: {  	[hbm:s10], [sflag:s25] =	dma.local [spmem:s31], $0x800  }
0x6e: {  	_ =	swait.ge [sflag:s19], $0x800  }
0x6f: {  	[sflag:s19] =	ssyncset.done $0x0  }
0x70: {  	s28 =	sshrl.u32 s6, $0x3;
	[sflag:s19] =	ssyncadd.s32 $0xFFFFF800  }
0x71: {  	[hbm:s11], [sflag:s25] =	dma.local [spmem:s28], $0x800  }
0x72: {  	_ =	swait.ge [sflag:s19], $0x800  }
0x73: {  	[sflag:s19] =	ssyncset.done $0x0  }
0x74: {  	s29 =	sshrl.u32 s7, $0x3;
	[sflag:s19] =	ssyncadd.s32 $0xFFFFF800  }
0x75: {  	[hbm:s12], [sflag:s25] =	dma.local [spmem:s29], $0x800  }
0x76: {  	_ =	swait.ge [sflag:s19], $0x800  }
0x77: {  	[sflag:s19] =	ssyncset.done $0x0  }
0x78: {  	s30 =	sshrl.u32 s8, $0x3;
	[sflag:s19] =	ssyncadd.s32 $0xFFFFF800  }
0x79: {  	[hbm:s13], [sflag:s25] =	dma.local [spmem:s30], $0x800  }
0x7a: {  	s24 =	sadd.s32 $0x1, s24;
	_ =	swait.ge [sflag:s19], $0x800  }
0x7b: {  	p0 =	sne.s32 s24, s15;
	[sflag:s19] =	ssyncset.done $0x0  }
.Ltmp2:
0x7c: {  	s31 =	sshrl.u32 s9, $0x3;
	[sflag:s19] =	ssyncadd.s32 $0xFFFFF800;
	(pc) =	sbr.rel @p0 .LBB2_1-.Ltmp2, $4  }
0x7d: {  	[hbm:s14], [sflag:s25] =	dma.local [spmem:s31], $0x780  }
0x7e: {  	_ =	swait.ge [sflag:s19], $0x780  }
0x7f: {  	[sflag:s19] =	ssyncset.done $0x0  }
0x80: {  	[sflag:s19] =	ssyncadd.s32 $0xFFFFF880  }
0x81: {  	_ =	sfence.sel $0x180000  }
0x82: {  	[bflag:$0x0] =	sbarrier.arrive $0xFFFF  }
0x83: {  	p0 =	sne.s32 s1, $0x0;
	_ =	strace $0x9000004A  }
0x84: {  	s0 =	sadd.s32 @!p0 $0x100000, s0;
	[bflag:$0x2] =	sbarrier.arrive $0xFFFF  }
0x85: {  	[sflag:s0] =	ssyncadd.tile.s32 @!p0 $0x1;
	_ =	shalt  }
.Lfunc_end2:
_tile_overlayer_lowered:
.L_overlay_start_2:
0x86: {  	(tag) =	ssettag $0x2  }
0x87: {  	s0 =	rddreg [dreg:$0x0];
	s2 =	stileid.u32  }
0x88: {  	s1 =	rddreg [dreg:$0x1];
	p0 =	sne.s32 s2, $0x0  }
0x89: {  	s3 =	rddreg [dreg:$0x2];
	[bflag:$0x3] =	sbarrier.arrive $0xFFFF;
	s2 =	simm.s32 @!p0 $0x1C02  }
0x8a: {  	[timem:s3], [sflag:s2] =	dma.local @!p0 [hbm:s0], s1  }
0x8b: {  	s0 =	simm.s32 @!p0 $0x2  }
0x8c: {  	_ =	swait.ge @!p0 [sflag:s0], s1  }
0x8d: {  	s1 =	ssub.s32 @!p0 $0x0, s1;
	[sflag:s0] =	ssyncset.done @!p0 $0x0  }
0x8e: {  	[sflag:s0] =	ssyncadd.s32 @!p0 s1  }
0x8f: {  	[bflag:$0x3] =	sbarrier.arrive $0xFFFF  }
0x90: {  	_ =	shalt  }

// kernel: kernel.15.cloned.1.call-start
scs
__scs_entry_jumppad:
0x0: {  	(pc) =	sbr.rel $0x88, $3  }
0x1: {  	(tag) =	ssettag $0x0;
	lr =	simm.s32 $0x1  }
0x2: {  	[smem:$0x3F94] =	sst lr;
	_ =	strace $0xD0000000  }
0x3: {  	_ = 	snop  }
0x4: {  	_ = 	snop  }
0x5: {  	_ = 	snop  }
0x6: {  	_ = 	snop  }
0x7: {  	_ = 	snop  }
__scs_overlays_trampoline_lowered:
0x8: {  	[smem:$0x3FA3] =	sst s0  }
0x9: {  	[smem:$0x3FA4] =	sst s1  }
0xa: {  	[smem:$0x3FA5] =	sst s2  }
0xb: {  	[smem:$0x3FA6] =	sst s3  }
0xc: {  	[smem:$0x3FA7] =	sst s4  }
0xd: {  	[smem:$0x3FA8] =	sst s5  }
0xe: {  	[smem:$0x3FA9] =	sst s6  }
0xf: {  	[smem:$0x3FAA] =	sst s7  }
0x10: {  	[smem:$0x3FAB] =	sst s8  }
0x11: {  	[smem:$0x3FAC] =	sst s9;
	s0 =	simm.s32 @!p0 $0x0  }
0x12: {  	s1 =	sld [smem:$0x3F92];
	s0 =	simm.s32 @p0 $0x1  }
0x13: {  	[smem:$0x3FAD] =	sst s0;
	s0 =	simm.s32 @!p1 $0x0  }
0x14: {  	s2 =	sld [smem:$0x3F91];
	s0 =	simm.s32 @p1 $0x1  }
0x15: {  	[smem:$0x3FAE] =	sst s0;
	s0 =	simm.s32 @!p2 $0x0  }
0x16: {  	s3 =	sld [smem:$0x3FDB];
	s0 =	simm.s32 @p2 $0x1  }
0x17: {  	s4 =	simm.s32 $0x1BF5;
	[smem:$0x3FB0] =	sst s0  }
0x18: {  	s0 =	sld [smem:$0x3F93];
	_ =	swait.ge [sflag:s4], $0x0  }
0x19: {  	s7 =	sld [smem:$0x3F94]  }
0x1a: {  	s8 =	sadd.s32 $0xFFFFE003, lr  }
0x1b: {  	s9 =	sadd.s32 $0xFFFFFEF7, lr;
	s5 =	simm.s32 $0xFFFFFFFF;
	p2 =	slt.u32 s8, $0xFFFFF086  }
0x1c: {  	p1 =	slt.u32 s9, $0xF7A;
	s5 =	simm.s32 @!p2 $0x0  }
0x1d: {  	s5 =	simm.s32 @p1 $0x1;
	p0 =	seq.s32 s7, s2  }
0x1e: {  	s7 =	smul.u32 @!p0 $0xF7A, s2;
	p2 =	seq.s32 @!p0 s5, $0x0  }
0x1f: {  	s9 =	smul.u32 $0xF7A, s1;
	s8 =	simm.s32 @!p0 $0x1BF5;
	p2 =	por !p2, p0  }
0x20: {  	[sflag:s8] =	ssyncset.s32 @!p0 $0xFFFFF086;
	s6 =	sadd.s32 @!p0 s3, s7;
	s7 =	simm.s32 @!p0 $0x108  }
0x21: {  	s3 =	sadd.s32 s3, s9;
	s6 =	sadd.s32 @!p0 $0x88, s6;
	s7 =	simm.s32 @p2 $0x1082  }
0x22: {  	[simem:s7], [sflag:s8] =	dma.local @!p0 [hbm:s6], $0xF7A  }
0x23: {  	s9 =	sor.u32 $0xD0000000, s2;
	s6 =	simm.s32 $0x108;
	_ =	swait.ge @!p0 [sflag:s8], $0x0  }
0x24: {  	s3 =	sadd.s32 $0x88, s3;
	s6 =	simm.s32 @!p1 $0x1082;
	[sflag:s4] =	ssyncset.s32 $0xFFFFF086  }
0x25: {  	[simem:s6], [sflag:s4] =	dma.local [hbm:s3], $0xF7A  }
0x26: {  	[smem:$0x3F94] =	sst s1;
	(tag) =	ssettag s2;
	_ =	strace s9  }
0x27: {  	s1 =	sld [smem:$0x3FA4]  }
0x28: {  	s2 =	sld [smem:$0x3FA5]  }
0x29: {  	s4 =	sld [smem:$0x3FA7]  }
0x2a: {  	p0 =	seq.s32 s5, $0x0;
	s5 =	sld [smem:$0x3FA8]  }
0x2b: {  	s6 =	sld [smem:$0x3FA9]  }
0x2c: {  	s7 =	sld [smem:$0x3FAA]  }
0x2d: {  	s3 =	simm.s32 $0x108;
	s8 =	sld [smem:$0x3FAB]  }
0x2e: {  	s3 =	simm.s32 @!p0 $0x1082;
	s9 =	sld [smem:$0x3FAC]  }
0x2f: {  	lr =	sadd.s32 s0, s3;
	s0 =	sld [smem:$0x3FA3]  }
0x30: {  	s3 =	sld [smem:$0x3FA6]  }
0x31: {  	[smem:$0x3FAF] =	sst s10  }
0x32: {  	s10 =	sld [smem:$0x3FAD];
	_ =	sdelay $0x3  }
0x33: {  	p0 =	seq.s32 s10, $0x1;
	s10 =	sld [smem:$0x3FAF];
	_ =	sdelay $0x3  }
0x34: {  	[smem:$0x3FAF] =	sst s10  }
0x35: {  	s10 =	sld [smem:$0x3FAE];
	_ =	sdelay $0x3  }
0x36: {  	p1 =	seq.s32 s10, $0x1;
	s10 =	sld [smem:$0x3FAF];
	_ =	sdelay $0x3  }
0x37: {  	[smem:$0x3FAF] =	sst s10  }
0x38: {  	s10 =	sld [smem:$0x3FB0]  }
0x39: {  	_ = 	snop;
	(pc) =	sbr.ind lr, $3  }
0x3a: {  	_ = 	snop  }
0x3b: {  	_ = 	snop  }
0x3c: {  	p2 =	seq.s32 s10, $0x1;
	s10 =	sld [smem:$0x3FAF]  }
0x3d: {  	_ =	shalt  }
0x3e: {  	_ =	shalt  }
0x3f: {  	_ =	shalt  }
0x40: {  	_ =	shalt  }
0x41: {  	_ =	shalt  }
0x42: {  	_ =	shalt  }
0x43: {  	_ =	shalt  }
0x44: {  	_ =	shalt  }
0x45: {  	_ =	shalt  }
0x46: {  	_ =	shalt  }
0x47: {  	_ =	shalt  }
0x48: {  	_ =	shalt  }
0x49: {  	_ =	shalt  }
0x4a: {  	_ =	shalt  }
0x4b: {  	_ =	shalt  }
0x4c: {  	_ =	shalt  }
0x4d: {  	_ =	shalt  }
0x4e: {  	_ =	shalt  }
0x4f: {  	_ =	shalt  }
0x50: {  	_ =	shalt  }
0x51: {  	_ =	shalt  }
0x52: {  	_ =	shalt  }
0x53: {  	_ =	shalt  }
0x54: {  	_ =	shalt  }
0x55: {  	_ =	shalt  }
0x56: {  	_ =	shalt  }
0x57: {  	_ =	shalt  }
0x58: {  	_ =	shalt  }
0x59: {  	_ =	shalt  }
0x5a: {  	_ =	shalt  }
0x5b: {  	_ =	shalt  }
0x5c: {  	_ =	shalt  }
0x5d: {  	_ =	shalt  }
0x5e: {  	_ =	shalt  }
0x5f: {  	_ =	shalt  }
0x60: {  	_ =	shalt  }
0x61: {  	_ =	shalt  }
0x62: {  	_ =	shalt  }
0x63: {  	_ =	shalt  }
0x64: {  	_ =	shalt  }
0x65: {  	_ =	shalt  }
0x66: {  	_ =	shalt  }
0x67: {  	_ =	shalt  }
0x68: {  	_ =	shalt  }
0x69: {  	_ =	shalt  }
0x6a: {  	_ =	shalt  }
0x6b: {  	_ =	shalt  }
0x6c: {  	_ =	shalt  }
0x6d: {  	_ =	shalt  }
0x6e: {  	_ =	shalt  }
0x6f: {  	_ =	shalt  }
0x70: {  	_ =	shalt  }
0x71: {  	_ =	shalt  }
0x72: {  	_ =	shalt  }
0x73: {  	_ =	shalt  }
0x74: {  	_ =	shalt  }
0x75: {  	_ =	shalt  }
0x76: {  	_ =	shalt  }
0x77: {  	_ =	shalt  }
0x78: {  	_ =	shalt  }
0x79: {  	_ =	shalt  }
0x7a: {  	_ =	shalt  }
0x7b: {  	_ =	shalt  }
0x7c: {  	_ =	shalt  }
0x7d: {  	_ =	shalt  }
0x7e: {  	_ =	shalt  }
0x7f: {  	_ =	shalt  }
0x80: {  	_ =	shalt  }
0x81: {  	_ =	shalt  }
0x82: {  	_ =	shalt  }
0x83: {  	_ =	shalt  }
0x84: {  	_ =	shalt  }
0x85: {  	_ =	shalt  }
0x86: {  	_ =	shalt  }
0x87: {  	_ =	shalt  }
.Lfunc_end0:
.L_simem_size_0:
called_computation.2_lowered:
.L_overlay_start_0:
0x88: {  	s2 =	sld [smem:$0x3FD9]  }
0x89: {  	s3 =	sld [smem:$0x3FFE];
	_ =	sdelay $0x1  }
0x8a: {  	s1 =	srdreg.scid  }
0x8b: {  	s0 =	sand.u32 $0x1, s1  }
0x8c: {  	s16 =	sshll.u32 s0, $0xA;
	s2 =	sadd.s32 s3, s2  }
0x8d: {  	s2 =	sadd.s32 s2, s16  }
0x8e: {  	[smem:$0x3FBB] =	sst s2  }
0x8f: {  	_ = 	snop  }
0x90: {  	(tm) =	ssettm $0x1  }
0x91: {  	s17 =	sld [smem:$0x3FFB];
	_ =	sdelay $0x3  }
0x92: {  	_ =	strace s17  }
0x93: {  	s2 =	sld [smem:$0x3FFC];
	_ =	sdelay $0x3  }
0x94: {  	_ =	strace s2  }
0x95: {  	s2 =	sld [smem:$0x3FFD];
	_ =	sdelay $0x3  }
0x96: {  	_ =	strace s2  }
0x97: {  	_ =	strace $0x8FFFFFFF  }
0x98: {  	s18 =	sld [smem:$0x3FDB];
	_ =	sdelay $0x1  }
0x99: {  	s19 =	simm.s32 $_scs_section_size  }
0x9a: {  	s4 =	simm.s32 $_size__tile_overlayer_lowered;
	s5 =	simm.s32 $_tile_overlayer_lowered  }
0x9b: {  	s22 =	simm.s32 $0x1BFF;
	s21 =	sshll.u32 s5, $0x1;
	s2 =	sadd.s32 s19, s18  }
0x9c: {  	s6 =	simm.s32 $0x0;
	s20 =	sshll.u32 s4, $0x1;
	s4 =	sadd.s32 s21, s2  }
0x9d: {  	[timem:s6], [sflag:s22] =	dma.local [hbm:s4], s20  }
0x9e: {  	_ =	swait.ge [sflag:s22], s20  }
0x9f: {  	s3 =	ssub.s32 $0x0, s20;
	[sflag:s22] =	ssyncset.done $0x0  }
0xa0: {  	[sflag:s22] =	ssyncadd.s32 s3;
	_ =	sdelay $0x1  }
0xa1: {  	s23 =	simm.s32 $0x1B8B  }
0xa2: {  	_ =	swait.ge [sflag:s23], $0x1  }
0xa3: {  	[sflag:s23] =	ssyncset.done $0x0  }
0xa4: {  	s25 =	simm.s32 $0x1B8E;
	s24 =	sld [smem:$0x3FFE];
	[sflag:s23] =	ssyncadd.s32 $0xFFFFFFFF  }
0xa5: {  	s26 =	simm.s32 $execute0_lowered;
	[smem:$0x3FD2] =	sst s25  }
0xa6: {  	s4 =	sshll.u32 s26, $0x1;
	_ =	strace $0x8000004C;
	[dreg:$0x1] =	wrdreg $0xFFFFFFFF  }
0xa7: {  	s28 =	simm.s32 $_size_execute0_lowered;
	s2 =	sadd.s32 s2, s4;
	[dreg:$0x0] =	wrdreg $0x0  }
0xa8: {  	s4 =	sshll.u32 s28, $0x1;
	[dreg:$0x2] =	wrdreg s2  }
0xa9: {  	[dreg:$0x3] =	wrdreg s4  }
0xaa: {  	[dreg:$0x4] =	wrdreg $0xC0  }
0xab: {  	_ =	task [dreg:s6], $0x5FFFF  }
0xac: {  	[dreg:$0x1] =	wrdreg $0xFFFFFFFF  }
0xad: {  	[dreg:$0x0] =	wrdreg $0x60  }
0xae: {  	[dreg:$0x2] =	wrdreg s24  }
0xaf: {  	[dreg:$0x3] =	wrdreg $0x0  }
0xb0: {  	[dreg:$0x4] =	wrdreg $0x9  }
0xb1: {  	_ =	task.clear_ibuf [dreg:s6], $0x5FFFF;
	_ =	strace $0x9000004C  }
0xb2: {  	s29 =	simm.s32 $0x9;
	_ =	strace $0x8000004E  }
0xb3: {  	_ =	swait.ge [sflag:s29], $0x1  }
0xb4: {  	[sflag:s29] =	ssyncadd.s32 $0xFFFFFFFF  }
0xb5: {  	_ =	strace $0x9000004E  }
0xb6: {  	_ =	sfence  }
0xb7: {  	s30 =	sld [smem:$0x0];
	_ =	sdelay $0x2  }
0xb8: {  	s31 =	sshll.u32 s1, $0xD;
	s1 =	sshrl.u32 s1, $0x2  }
0xb9: {  	s3 =	sand.u32 $0x4000, s31;
	s1 =	sadd.s32 s1, s30  }
0xba: {  	s0 =	sor.u32 s3, s0;
	s1 =	sshll.u32 s1, $0x11  }
0xbb: {  	s0 =	sor.u32 s1, s0  }
0xbc: {  	s0 =	sadd.s32 $0x8F2B, s0  }
0xbd: {  	[sflag:s0] =	ssyncadd.remote.s32 $0x1  }
0xbe: {  	_ =	sfence.sel $0xFFFF  }
0xbf: {  	[dreg:$0x0] =	wrdreg $0xFFFFFFFF;
	(pc) =	sbr.abs _section_cstart, $3  }
0xc0: {  	[dreg:$0x1] =	wrdreg $0xFFFFFFFF  }
0xc1: {  	_ =	task.clear_ibuf [dreg:s6], $0x2FFFF;
	_ =	strace $0x9FFFFFFF  }
0xc2: {  	(tm) =	ssettm $0x7FFFFFFF  }
0xc3: {  	_ =	shalt  }
tec
execute0_lowered:
.L_overlay_start_1:
0x0: {  	(tag) =	ssettag $0x1  }
0x1: {  	s5 =	rddreg [dreg:$0x0]  }
0x2: {  	s2 =	rddreg [dreg:$0x1]  }
0x3: {  	s0 =	rddreg [dreg:$0x2];
	s3 =	simm.s32 $0x0;
	s1 =	stileid.u32  }
0x4: {  	s4 =	srdreg.scid;
	s21 =	simm.s32 $0x13C80;
	s6 =	smul.u32 $0x9E0, s1  }
0x5: {  	s22 =	simm.s32 $0x80;
	s23 =	simm.s32 $0x1;
	s7 =	smul.u32 $0x4F000, s1  }
0x6: {  	[smem:$0x7FF] =	sst s3;
	s12 =	sand.u32 $0x1, s4;
	s9 =	smul.u32 $0x13C00, s1  }
0x7: {  	s4 =	sadd.s32 $0x16400, s5;
	s14 =	sadd.s32 $0x3DC00, s5;
	s13 =	smul.u32 $0x13C000, s12  }
0x8: {  	_ =	strace $0x8000004D;
	s24 =	ssub.s32 $0x2, s12;
	s29 =	smul.u32 $0x4F0, s12  }
0x9: {  	s16 =	sadd.s32 s6, s5;
	s8 =	sshrl.u32 s24, $0x1;
	s7 =	sshrl.u32 s7, $0x2  }
0xa: {  	s10 =	sadd.s32 $0x4000, s9;
	s11 =	sadd.s32 $0x8000, s9;
	s17 =	sadd.s32 $0xC000, s9  }
0xb: {  	s18 =	sadd.s32 $0x10000, s9;
	s15 =	ssub.s32 s24, s8;
	s5 =	sadd.s32 s7, s2  }
0xc: {  	s6 =	sadd.s32 s10, s2;
	s7 =	sadd.s32 s11, s2;
	s8 =	sadd.s32 s17, s2  }
0xd: {  	s19 =	sadd.s32 s9, s13;
	s9 =	sadd.s32 s18, s2;
	s20 =	sadd.s32 s13, s10  }
0xe: {  	s26 =	sadd.s32 s13, s11;
	s17 =	sadd.s32 s13, s17;
	s18 =	sadd.s32 s13, s18  }
0xf: {  	s31 =	sadd.s32 s29, s16;
	s24 =	simm.s32 $0x0;
	s19 =	sshrl.u32 s19, $0x3  }
0x10: {  	s25 =	sshrl.u32 s20, $0x3;
	s28 =	sshrl.u32 s26, $0x3;
	s17 =	sshrl.u32 s17, $0x3  }
0x11: {  	s30 =	sshrl.u32 s18, $0x3;
	s15 =	smax.u32 s15, $0x1;
	s16 =	sadd.s32 $0xC600, s31  }
0x12: {  	s18 =	simm.s32 $0x13D00;
	s20 =	simm.s32 $0x13C00;
	s10 =	sadd.s32 s14, s19  }
0x13: {  	s11 =	sadd.s32 s14, s25;
	s12 =	sadd.s32 s14, s28;
	s13 =	sadd.s32 s14, s17  }
0x14: {  	v0 =	vimm.f32 $0.0e+00;
	s14 =	sadd.s32 s14, s30;
	s17 =	sadd.s32 $0x2800, s31;
	s19 =	simm.s32 $0x2  }
.LBB2_1:
0x15: {  	s25 =	simm.s32 $0x0;
	s26 =	simm.s32 $0x200  }
.LBB2_2:
0x16: {  	p0 =	sne.s32 s26, $0xFE00;
	[tilespmem:s25+$0x13D70] =	vst v0  }
0x17: {  	[tilespmem:s25+$0x13D00] =	vst v0  }
0x18: {  	[tilespmem:s25+$0x13D10] =	vst v0  }
.Ltmp0:
0x19: {  	[tilespmem:s25+$0x13D20] =	vst v0;
	(pc) =	sbr.rel @p0 .LBB2_2-.Ltmp0, $4  }
0x1a: {  	[tilespmem:s25+$0x13D30] =	vst v0  }
0x1b: {  	[tilespmem:s25+$0x13D40] =	vst v0  }
0x1c: {  	[tilespmem:s25+$0x13D50] =	vst v0  }
0x1d: {  	[tilespmem:s25+$0x13D60] =	vst v0;
	s25 =	sshra.s32 s26, $0x2;
	s26 =	sadd.s32 $0x200, s26  }
0x1e: {  	[tilespmem:s25+$0x13D70] =	vst v0  }
0x1f: {  	[tilespmem:s25+$0x13D00] =	vst v0  }
0x20: {  	[tilespmem:s25+$0x13D10] =	vst v0  }
0x21: {  	[tilespmem:s25+$0x13D20] =	vst v0  }
0x22: {  	[tilespmem:s25+$0x13D30] =	vst v0  }
0x23: {  	[tilespmem:s25+$0x13D40] =	vst v0  }
0x24: {  	[tilespmem:s25+$0x13D50] =	vst v0  }
0x25: {  	[tilespmem:s25+$0x13D60] =	vst v0  }
0x26: {  	[spmem:s5] =	stream.linear.scatter [tilespmem:s18], [sflag:$0x2], $0x4000, $0x38;
	[tilespmem:$0x17D00] =	vst v63  }
0x27: {  	_ =	swait.ge [sflag:s19], $0x4000  }
0x28: {  	[sflag:s19] =	ssyncset.done $0x0  }
0x29: {  	[sflag:s19] =	ssyncadd.s32 $0xFFFFC000  }
0x2a: {  	[spmem:s6] =	stream.linear.scatter [tilespmem:s18], [sflag:$0x2], $0x4000, $0x38;
	[tilespmem:$0x17D00] =	vst v63  }
0x2b: {  	_ =	swait.ge [sflag:s19], $0x4000  }
0x2c: {  	[sflag:s19] =	ssyncset.done $0x0  }
0x2d: {  	[sflag:s19] =	ssyncadd.s32 $0xFFFFC000  }
0x2e: {  	[spmem:s7] =	stream.linear.scatter [tilespmem:s18], [sflag:$0x2], $0x4000, $0x38;
	[tilespmem:$0x17D00] =	vst v63  }
0x2f: {  	_ =	swait.ge [sflag:s19], $0x4000  }
0x30: {  	[sflag:s19] =	ssyncset.done $0x0  }
0x31: {  	[sflag:s19] =	ssyncadd.s32 $0xFFFFC000  }
0x32: {  	[spmem:s8] =	stream.linear.scatter [tilespmem:s18], [sflag:$0x2], $0x4000, $0x38;
	[tilespmem:$0x17D00] =	vst v63  }
0x33: {  	_ =	swait.ge [sflag:s19], $0x4000  }
0x34: {  	[sflag:s19] =	ssyncset.done $0x0  }
0x35: {  	[sflag:s19] =	ssyncadd.s32 $0xFFFFC000  }
0x36: {  	[spmem:s9] =	stream.linear.scatter [tilespmem:s18], [sflag:$0x2], $0x3C00, $0x38;
	[tilespmem:$0x17D00] =	vst v63  }
0x37: {  	_ =	swait.ge [sflag:s19], $0x3C00  }
0x38: {  	[sflag:s19] =	ssyncset.done $0x0  }
0x39: {  	[sflag:s19] =	ssyncadd.s32 $0xFFFFC400  }
0x3a: {  	s30 =	sadd.s32 $0x0, s17;
	[bflag:$0x0] =	sbarrier.arrive $0xFFFF  }
0x3b: {  	[tilespmem:s20], [sflag:$0x2] =	stream.linear.gather [hbm4b:s30+s3], $0x80, $0x38;
	[tilespmem:$0x17D00] =	vst v63  }
0x3c: {  	_ =	swait.ge [sflag:s19], $0x80  }
0x3d: {  	[sflag:s19] =	ssyncset.done $0x0  }
0x3e: {  	s31 =	sadd.s32 $0x0, s16;
	[sflag:s19] =	ssyncadd.s32 $0xFFFFFF80  }
0x3f: {  	[tilespmem:s21], [sflag:$0x2] =	stream.linear.gather [hbm4b:s31+s3], $0x80, $0x38;
	[tilespmem:$0x17D00] =	vst v63  }
0x40: {  	_ =	swait.ge [sflag:s19], $0x80  }
0x41: {  	[sflag:s19] =	ssyncset.done $0x0  }
0x42: {  	[sflag:s19] =	ssyncadd.s32 $0xFFFFFF80  }
0x43: {  	[tilespmem:s18], [sflag:$0x1] =	stream.indirect.gather [hbm4b:s4+s22], $0x80, s20, s22, $0xb8;
	[tilespmem:$0x17D00] =	vst v63  }
0x44: {  	_ =	swait.ge [sflag:s23], $0x4000  }
0x45: {  	[sflag:s23] =	ssyncset.done $0x0  }
0x46: {  	[sflag:s23] =	ssyncadd.s32 $0xFFFFC000  }
0x47: {  	[spmem:s2] =	stream.indirect.scatter.add.f32 [tilespmem:s18], [sflag:$0x2], $0x80, s21, s22, $0xb8;
	[tilespmem:$0x17D00] =	vst v63  }
0x48: {  	_ =	swait.ge [sflag:s19], $0x4000  }
0x49: {  	s25 =	simm.s32 $0x10;
	s26 =	simm.s32 $0x20;
	[sflag:s19] =	ssyncset.done $0x0  }
.LBB2_4:
0x4a: {  	s28 =	sadd.s32 s25, s17  }
0x4b: {  	[sflag:s19] =	ssyncadd.s32 $0xFFFFC000;
	s29 =	smov.u32 s26;
	s30 =	sadd.s32 $0x10, s26  }
0x4c: {  	[tilespmem:s20], [sflag:$0x2] =	stream.linear.gather [hbm4b:s28+s3], $0x80, $0x38;
	[tilespmem:$0x17D00] =	vst v63  }
0x4d: {  	p0 =	sne.s32 s26, $0x4E0;
	_ =	swait.ge [sflag:s19], $0x80  }
0x4e: {  	[sflag:s19] =	ssyncset.done $0x0  }
0x4f: {  	s26 =	sadd.s32 s25, s16;
	s25 =	smov.u32 s29;
	[sflag:s19] =	ssyncadd.s32 $0xFFFFFF80  }
0x50: {  	[tilespmem:s21], [sflag:$0x2] =	stream.linear.gather [hbm4b:s26+s3], $0x80, $0x38;
	[tilespmem:$0x17D00] =	vst v63  }
0x51: {  	_ =	swait.ge [sflag:s19], $0x80  }
0x52: {  	[sflag:s19] =	ssyncset.done $0x0  }
0x53: {  	[sflag:s19] =	ssyncadd.s32 $0xFFFFFF80  }
0x54: {  	[tilespmem:s18], [sflag:$0x1] =	stream.indirect.gather [hbm4b:s4+s22], $0x80, s20, s22, $0xb8;
	[tilespmem:$0x17D00] =	vst v63  }
0x55: {  	_ =	swait.ge [sflag:s23], $0x4000  }
.Ltmp1:
0x56: {  	[sflag:s23] =	ssyncset.done $0x0;
	(pc) =	sbr.rel @p0 .LBB2_4-.Ltmp1, $4  }
0x57: {  	[sflag:s23] =	ssyncadd.s32 $0xFFFFC000  }
0x58: {  	[spmem:s2] =	stream.indirect.scatter.add.f32 [tilespmem:s18], [sflag:$0x2], $0x80, s21, s22, $0xb8;
	[tilespmem:$0x17D00] =	vst v63  }
0x59: {  	_ =	swait.ge [sflag:s19], $0x4000  }
0x5a: {  	s26 =	smov.u32 s30;
	[sflag:s19] =	ssyncset.done $0x0  }
0x5b: {  	s26 =	sadd.s32 s25, s17;
	[sflag:s19] =	ssyncadd.s32 $0xFFFFC000  }
0x5c: {  	[tilespmem:s20], [sflag:$0x2] =	stream.linear.gather [hbm4b:s26+s3], $0x80, $0x38;
	[tilespmem:$0x17D00] =	vst v63  }
0x5d: {  	_ =	swait.ge [sflag:s19], $0x80  }
0x5e: {  	[sflag:s19] =	ssyncset.done $0x0  }
0x5f: {  	s29 =	sadd.s32 s25, s16;
	[sflag:s19] =	ssyncadd.s32 $0xFFFFFF80  }
0x60: {  	[tilespmem:s21], [sflag:$0x2] =	stream.linear.gather [hbm4b:s29+s3], $0x80, $0x38;
	[tilespmem:$0x17D00] =	vst v63  }
0x61: {  	_ =	swait.ge [sflag:s19], $0x80  }
0x62: {  	[sflag:s19] =	ssyncset.done $0x0  }
0x63: {  	[sflag:s19] =	ssyncadd.s32 $0xFFFFFF80  }
0x64: {  	[tilespmem:s18], [sflag:$0x1] =	stream.indirect.gather [hbm4b:s4+s22], $0x80, s20, s22, $0xb8;
	[tilespmem:$0x17D00] =	vst v63  }
0x65: {  	_ =	swait.ge [sflag:s23], $0x4000  }
0x66: {  	[sflag:s23] =	ssyncset.done $0x0  }
0x67: {  	[sflag:s23] =	ssyncadd.s32 $0xFFFFC000  }
0x68: {  	[spmem:s2] =	stream.indirect.scatter.add.f32 [tilespmem:s18], [sflag:$0x2], $0x80, s21, s22, $0xb8;
	[tilespmem:$0x17D00] =	vst v63  }
0x69: {  	_ =	swait.ge [sflag:s19], $0x4000  }
0x6a: {  	[sflag:s19] =	ssyncset.done $0x0  }
0x6b: {  	s30 =	sshll.u32 s1, $0x6;
	[sflag:s19] =	ssyncadd.s32 $0xFFFFC000  }
0x6c: {  	s31 =	sshrl.u32 s5, $0x3;
	s25 =	sor.u32 $0x1C02, s30;
	[bflag:$0x0] =	sbarrier.arrive $0xFFFF  }
0x6d: {  	[hbm:s10], [sflag:s25] =	dma.local [spmem:s31], $0x800  }
0x6e: {  	_ =	swait.ge [sflag:s19], $0x800  }
0x6f: {  	[sflag:s19] =	ssyncset.done $0x0  }
0x70: {  	s28 =	sshrl.u32 s6, $0x3;
	[sflag:s19] =	ssyncadd.s32 $0xFFFFF800  }
0x71: {  	[hbm:s11], [sflag:s25] =	dma.local [spmem:s28], $0x800  }
0x72: {  	_ =	swait.ge [sflag:s19], $0x800  }
0x73: {  	[sflag:s19] =	ssyncset.done $0x0  }
0x74: {  	s29 =	sshrl.u32 s7, $0x3;
	[sflag:s19] =	ssyncadd.s32 $0xFFFFF800  }
0x75: {  	[hbm:s12], [sflag:s25] =	dma.local [spmem:s29], $0x800  }
0x76: {  	_ =	swait.ge [sflag:s19], $0x800  }
0x77: {  	[sflag:s19] =	ssyncset.done $0x0  }
0x78: {  	s30 =	sshrl.u32 s8, $0x3;
	[sflag:s19] =	ssyncadd.s32 $0xFFFFF800  }
0x79: {  	[hbm:s13], [sflag:s25] =	dma.local [spmem:s30], $0x800  }
0x7a: {  	s24 =	sadd.s32 $0x1, s24;
	_ =	swait.ge [sflag:s19], $0x800  }
0x7b: {  	p0 =	sne.s32 s24, s15;
	[sflag:s19] =	ssyncset.done $0x0  }
.Ltmp2:
0x7c: {  	s31 =	sshrl.u32 s9, $0x3;
	[sflag:s19] =	ssyncadd.s32 $0xFFFFF800;
	(pc) =	sbr.rel @p0 .LBB2_1-.Ltmp2, $4  }
0x7d: {  	[hbm:s14], [sflag:s25] =	dma.local [spmem:s31], $0x780  }
0x7e: {  	_ =	swait.ge [sflag:s19], $0x780  }
0x7f: {  	[sflag:s19] =	ssyncset.done $0x0  }
0x80: {  	[sflag:s19] =	ssyncadd.s32 $0xFFFFF880  }
0x81: {  	_ =	sfence.sel $0x180000  }
0x82: {  	[bflag:$0x0] =	sbarrier.arrive $0xFFFF  }
0x83: {  	p0 =	sne.s32 s1, $0x0;
	_ =	strace $0x9000004D  }
0x84: {  	s0 =	sadd.s32 @!p0 $0x100000, s0;
	[bflag:$0x2] =	sbarrier.arrive $0xFFFF  }
0x85: {  	[sflag:s0] =	ssyncadd.tile.s32 @!p0 $0x1;
	_ =	shalt  }
.Lfunc_end2:
_tile_overlayer_lowered:
.L_overlay_start_2:
0x86: {  	(tag) =	ssettag $0x2  }
0x87: {  	s0 =	rddreg [dreg:$0x0];
	s2 =	stileid.u32  }
0x88: {  	s1 =	rddreg [dreg:$0x1];
	p0 =	sne.s32 s2, $0x0  }
0x89: {  	s3 =	rddreg [dreg:$0x2];
	[bflag:$0x3] =	sbarrier.arrive $0xFFFF;
	s2 =	simm.s32 @!p0 $0x1C02  }
0x8a: {  	[timem:s3], [sflag:s2] =	dma.local @!p0 [hbm:s0], s1  }
0x8b: {  	s0 =	simm.s32 @!p0 $0x2  }
0x8c: {  	_ =	swait.ge @!p0 [sflag:s0], s1  }
0x8d: {  	s1 =	ssub.s32 @!p0 $0x0, s1;
	[sflag:s0] =	ssyncset.done @!p0 $0x0  }
0x8e: {  	[sflag:s0] =	ssyncadd.s32 @!p0 s1  }
0x8f: {  	[bflag:$0x3] =	sbarrier.arrive $0xFFFF  }
0x90: {  	_ =	shalt  }

// kernel: kernel.9.cloned.1.call-start
scs
__scs_entry_jumppad:
0x0: {  	(pc) =	sbr.rel $0x88, $3  }
0x1: {  	(tag) =	ssettag $0x0;
	lr =	simm.s32 $0x1  }
0x2: {  	[smem:$0x3F94] =	sst lr;
	_ =	strace $0xD0000000  }
0x3: {  	_ = 	snop  }
0x4: {  	_ = 	snop  }
0x5: {  	_ = 	snop  }
0x6: {  	_ = 	snop  }
0x7: {  	_ = 	snop  }
__scs_overlays_trampoline_lowered:
0x8: {  	[smem:$0x3FA3] =	sst s0  }
0x9: {  	[smem:$0x3FA4] =	sst s1  }
0xa: {  	[smem:$0x3FA5] =	sst s2  }
0xb: {  	[smem:$0x3FA6] =	sst s3  }
0xc: {  	[smem:$0x3FA7] =	sst s4  }
0xd: {  	[smem:$0x3FA8] =	sst s5  }
0xe: {  	[smem:$0x3FA9] =	sst s6  }
0xf: {  	[smem:$0x3FAA] =	sst s7  }
0x10: {  	[smem:$0x3FAB] =	sst s8  }
0x11: {  	[smem:$0x3FAC] =	sst s9;
	s0 =	simm.s32 @!p0 $0x0  }
0x12: {  	s1 =	sld [smem:$0x3F92];
	s0 =	simm.s32 @p0 $0x1  }
0x13: {  	[smem:$0x3FAD] =	sst s0;
	s0 =	simm.s32 @!p1 $0x0  }
0x14: {  	s2 =	sld [smem:$0x3F91];
	s0 =	simm.s32 @p1 $0x1  }
0x15: {  	[smem:$0x3FAE] =	sst s0;
	s0 =	simm.s32 @!p2 $0x0  }
0x16: {  	s3 =	sld [smem:$0x3FDB];
	s0 =	simm.s32 @p2 $0x1  }
0x17: {  	s4 =	simm.s32 $0x1BF5;
	[smem:$0x3FB0] =	sst s0  }
0x18: {  	s0 =	sld [smem:$0x3F93];
	_ =	swait.ge [sflag:s4], $0x0  }
0x19: {  	s7 =	sld [smem:$0x3F94]  }
0x1a: {  	s8 =	sadd.s32 $0xFFFFE003, lr  }
0x1b: {  	s9 =	sadd.s32 $0xFFFFFEF7, lr;
	s5 =	simm.s32 $0xFFFFFFFF;
	p2 =	slt.u32 s8, $0xFFFFF086  }
0x1c: {  	p1 =	slt.u32 s9, $0xF7A;
	s5 =	simm.s32 @!p2 $0x0  }
0x1d: {  	s5 =	simm.s32 @p1 $0x1;
	p0 =	seq.s32 s7, s2  }
0x1e: {  	s7 =	smul.u32 @!p0 $0xF7A, s2;
	p2 =	seq.s32 @!p0 s5, $0x0  }
0x1f: {  	s9 =	smul.u32 $0xF7A, s1;
	s8 =	simm.s32 @!p0 $0x1BF5;
	p2 =	por !p2, p0  }
0x20: {  	[sflag:s8] =	ssyncset.s32 @!p0 $0xFFFFF086;
	s6 =	sadd.s32 @!p0 s3, s7;
	s7 =	simm.s32 @!p0 $0x108  }
0x21: {  	s3 =	sadd.s32 s3, s9;
	s6 =	sadd.s32 @!p0 $0x88, s6;
	s7 =	simm.s32 @p2 $0x1082  }
0x22: {  	[simem:s7], [sflag:s8] =	dma.local @!p0 [hbm:s6], $0xF7A  }
0x23: {  	s9 =	sor.u32 $0xD0000000, s2;
	s6 =	simm.s32 $0x108;
	_ =	swait.ge @!p0 [sflag:s8], $0x0  }
0x24: {  	s3 =	sadd.s32 $0x88, s3;
	s6 =	simm.s32 @!p1 $0x1082;
	[sflag:s4] =	ssyncset.s32 $0xFFFFF086  }
0x25: {  	[simem:s6], [sflag:s4] =	dma.local [hbm:s3], $0xF7A  }
0x26: {  	[smem:$0x3F94] =	sst s1;
	(tag) =	ssettag s2;
	_ =	strace s9  }
0x27: {  	s1 =	sld [smem:$0x3FA4]  }
0x28: {  	s2 =	sld [smem:$0x3FA5]  }
0x29: {  	s4 =	sld [smem:$0x3FA7]  }
0x2a: {  	p0 =	seq.s32 s5, $0x0;
	s5 =	sld [smem:$0x3FA8]  }
0x2b: {  	s6 =	sld [smem:$0x3FA9]  }
0x2c: {  	s7 =	sld [smem:$0x3FAA]  }
0x2d: {  	s3 =	simm.s32 $0x108;
	s8 =	sld [smem:$0x3FAB]  }
0x2e: {  	s3 =	simm.s32 @!p0 $0x1082;
	s9 =	sld [smem:$0x3FAC]  }
0x2f: {  	lr =	sadd.s32 s0, s3;
	s0 =	sld [smem:$0x3FA3]  }
0x30: {  	s3 =	sld [smem:$0x3FA6]  }
0x31: {  	[smem:$0x3FAF] =	sst s10  }
0x32: {  	s10 =	sld [smem:$0x3FAD];
	_ =	sdelay $0x3  }
0x33: {  	p0 =	seq.s32 s10, $0x1;
	s10 =	sld [smem:$0x3FAF];
	_ =	sdelay $0x3  }
0x34: {  	[smem:$0x3FAF] =	sst s10  }
0x35: {  	s10 =	sld [smem:$0x3FAE];
	_ =	sdelay $0x3  }
0x36: {  	p1 =	seq.s32 s10, $0x1;
	s10 =	sld [smem:$0x3FAF];
	_ =	sdelay $0x3  }
0x37: {  	[smem:$0x3FAF] =	sst s10  }
0x38: {  	s10 =	sld [smem:$0x3FB0]  }
0x39: {  	_ = 	snop;
	(pc) =	sbr.ind lr, $3  }
0x3a: {  	_ = 	snop  }
0x3b: {  	_ = 	snop  }
0x3c: {  	p2 =	seq.s32 s10, $0x1;
	s10 =	sld [smem:$0x3FAF]  }
0x3d: {  	_ =	shalt  }
0x3e: {  	_ =	shalt  }
0x3f: {  	_ =	shalt  }
0x40: {  	_ =	shalt  }
0x41: {  	_ =	shalt  }
0x42: {  	_ =	shalt  }
0x43: {  	_ =	shalt  }
0x44: {  	_ =	shalt  }
0x45: {  	_ =	shalt  }
0x46: {  	_ =	shalt  }
0x47: {  	_ =	shalt  }
0x48: {  	_ =	shalt  }
0x49: {  	_ =	shalt  }
0x4a: {  	_ =	shalt  }
0x4b: {  	_ =	shalt  }
0x4c: {  	_ =	shalt  }
0x4d: {  	_ =	shalt  }
0x4e: {  	_ =	shalt  }
0x4f: {  	_ =	shalt  }
0x50: {  	_ =	shalt  }
0x51: {  	_ =	shalt  }
0x52: {  	_ =	shalt  }
0x53: {  	_ =	shalt  }
0x54: {  	_ =	shalt  }
0x55: {  	_ =	shalt  }
0x56: {  	_ =	shalt  }
0x57: {  	_ =	shalt  }
0x58: {  	_ =	shalt  }
0x59: {  	_ =	shalt  }
0x5a: {  	_ =	shalt  }
0x5b: {  	_ =	shalt  }
0x5c: {  	_ =	shalt  }
0x5d: {  	_ =	shalt  }
0x5e: {  	_ =	shalt  }
0x5f: {  	_ =	shalt  }
0x60: {  	_ =	shalt  }
0x61: {  	_ =	shalt  }
0x62: {  	_ =	shalt  }
0x63: {  	_ =	shalt  }
0x64: {  	_ =	shalt  }
0x65: {  	_ =	shalt  }
0x66: {  	_ =	shalt  }
0x67: {  	_ =	shalt  }
0x68: {  	_ =	shalt  }
0x69: {  	_ =	shalt  }
0x6a: {  	_ =	shalt  }
0x6b: {  	_ =	shalt  }
0x6c: {  	_ =	shalt  }
0x6d: {  	_ =	shalt  }
0x6e: {  	_ =	shalt  }
0x6f: {  	_ =	shalt  }
0x70: {  	_ =	shalt  }
0x71: {  	_ =	shalt  }
0x72: {  	_ =	shalt  }
0x73: {  	_ =	shalt  }
0x74: {  	_ =	shalt  }
0x75: {  	_ =	shalt  }
0x76: {  	_ =	shalt  }
0x77: {  	_ =	shalt  }
0x78: {  	_ =	shalt  }
0x79: {  	_ =	shalt  }
0x7a: {  	_ =	shalt  }
0x7b: {  	_ =	shalt  }
0x7c: {  	_ =	shalt  }
0x7d: {  	_ =	shalt  }
0x7e: {  	_ =	shalt  }
0x7f: {  	_ =	shalt  }
0x80: {  	_ =	shalt  }
0x81: {  	_ =	shalt  }
0x82: {  	_ =	shalt  }
0x83: {  	_ =	shalt  }
0x84: {  	_ =	shalt  }
0x85: {  	_ =	shalt  }
0x86: {  	_ =	shalt  }
0x87: {  	_ =	shalt  }
.Lfunc_end0:
.L_simem_size_0:
called_computation_lowered:
.L_overlay_start_0:
0x88: {  	s2 =	sld [smem:$0x3FD9]  }
0x89: {  	s3 =	sld [smem:$0x3FFE];
	_ =	sdelay $0x1  }
0x8a: {  	s1 =	srdreg.scid  }
0x8b: {  	s0 =	sand.u32 $0x1, s1  }
0x8c: {  	s16 =	sshll.u32 s0, $0xA;
	s2 =	sadd.s32 s3, s2  }
0x8d: {  	s2 =	sadd.s32 s2, s16  }
0x8e: {  	[smem:$0x3FBB] =	sst s2  }
0x8f: {  	_ = 	snop  }
0x90: {  	(tm) =	ssettm $0x1  }
0x91: {  	s17 =	sld [smem:$0x3FFB];
	_ =	sdelay $0x3  }
0x92: {  	_ =	strace s17  }
0x93: {  	s2 =	sld [smem:$0x3FFC];
	_ =	sdelay $0x3  }
0x94: {  	_ =	strace s2  }
0x95: {  	s2 =	sld [smem:$0x3FFD];
	_ =	sdelay $0x3  }
0x96: {  	_ =	strace s2  }
0x97: {  	_ =	strace $0x8FFFFFFF  }
0x98: {  	s18 =	sld [smem:$0x3FDB];
	_ =	sdelay $0x1  }
0x99: {  	s19 =	simm.s32 $_scs_section_size  }
0x9a: {  	s4 =	simm.s32 $_size__tile_overlayer_lowered;
	s5 =	simm.s32 $_tile_overlayer_lowered  }
0x9b: {  	s22 =	simm.s32 $0x1BFF;
	s21 =	sshll.u32 s5, $0x1;
	s2 =	sadd.s32 s19, s18  }
0x9c: {  	s6 =	simm.s32 $0x0;
	s20 =	sshll.u32 s4, $0x1;
	s4 =	sadd.s32 s21, s2  }
0x9d: {  	[timem:s6], [sflag:s22] =	dma.local [hbm:s4], s20  }
0x9e: {  	_ =	swait.ge [sflag:s22], s20  }
0x9f: {  	s3 =	ssub.s32 $0x0, s20;
	[sflag:s22] =	ssyncset.done $0x0  }
0xa0: {  	[sflag:s22] =	ssyncadd.s32 s3;
	_ =	sdelay $0x1  }
0xa1: {  	s23 =	simm.s32 $0x1B8B  }
0xa2: {  	_ =	swait.ge [sflag:s23], $0x1  }
0xa3: {  	[sflag:s23] =	ssyncset.done $0x0  }
0xa4: {  	s25 =	simm.s32 $0x1B8E;
	s24 =	sld [smem:$0x3FFE];
	[sflag:s23] =	ssyncadd.s32 $0xFFFFFFFF  }
0xa5: {  	s26 =	simm.s32 $execute0_lowered;
	[smem:$0x3FD2] =	sst s25  }
0xa6: {  	s4 =	sshll.u32 s26, $0x1;
	_ =	strace $0x80000046;
	[dreg:$0x1] =	wrdreg $0xFFFFFFFF  }
0xa7: {  	s28 =	simm.s32 $_size_execute0_lowered;
	s2 =	sadd.s32 s2, s4;
	[dreg:$0x0] =	wrdreg $0x0  }
0xa8: {  	s4 =	sshll.u32 s28, $0x1;
	[dreg:$0x2] =	wrdreg s2  }
0xa9: {  	[dreg:$0x3] =	wrdreg s4  }
0xaa: {  	[dreg:$0x4] =	wrdreg $0xC0  }
0xab: {  	_ =	task [dreg:s6], $0x5FFFF  }
0xac: {  	[dreg:$0x1] =	wrdreg $0xFFFFFFFF  }
0xad: {  	[dreg:$0x0] =	wrdreg $0x60  }
0xae: {  	[dreg:$0x2] =	wrdreg s24  }
0xaf: {  	[dreg:$0x3] =	wrdreg $0x0  }
0xb0: {  	[dreg:$0x4] =	wrdreg $0x9  }
0xb1: {  	_ =	task.clear_ibuf [dreg:s6], $0x5FFFF;
	_ =	strace $0x90000046  }
0xb2: {  	s29 =	simm.s32 $0x9;
	_ =	strace $0x80000048  }
0xb3: {  	_ =	swait.ge [sflag:s29], $0x1  }
0xb4: {  	[sflag:s29] =	ssyncadd.s32 $0xFFFFFFFF  }
0xb5: {  	_ =	strace $0x90000048  }
0xb6: {  	_ =	sfence  }
0xb7: {  	s30 =	sld [smem:$0x0];
	_ =	sdelay $0x2  }
0xb8: {  	s31 =	sshll.u32 s1, $0xD;
	s1 =	sshrl.u32 s1, $0x2  }
0xb9: {  	s3 =	sand.u32 $0x4000, s31;
	s1 =	sadd.s32 s1, s30  }
0xba: {  	s0 =	sor.u32 s3, s0;
	s1 =	sshll.u32 s1, $0x11  }
0xbb: {  	s0 =	sor.u32 s1, s0  }
0xbc: {  	s0 =	sadd.s32 $0x8F2B, s0  }
0xbd: {  	[sflag:s0] =	ssyncadd.remote.s32 $0x1  }
0xbe: {  	_ =	sfence.sel $0xFFFF  }
0xbf: {  	[dreg:$0x0] =	wrdreg $0xFFFFFFFF;
	(pc) =	sbr.abs _section_cstart, $3  }
0xc0: {  	[dreg:$0x1] =	wrdreg $0xFFFFFFFF  }
0xc1: {  	_ =	task.clear_ibuf [dreg:s6], $0x2FFFF;
	_ =	strace $0x9FFFFFFF  }
0xc2: {  	(tm) =	ssettm $0x7FFFFFFF  }
0xc3: {  	_ =	shalt  }
tec
execute0_lowered:
.L_overlay_start_1:
0x0: {  	(tag) =	ssettag $0x1  }
0x1: {  	s5 =	rddreg [dreg:$0x0]  }
0x2: {  	s2 =	rddreg [dreg:$0x1]  }
0x3: {  	s0 =	rddreg [dreg:$0x2];
	s3 =	simm.s32 $0x0;
	s1 =	stileid.u32  }
0x4: {  	s4 =	srdreg.scid;
	s21 =	simm.s32 $0x13C80;
	s6 =	smul.u32 $0x9E0, s1  }
0x5: {  	s22 =	simm.s32 $0x80;
	s23 =	simm.s32 $0x1;
	s7 =	smul.u32 $0x4F000, s1  }
0x6: {  	[smem:$0x7FF] =	sst s3;
	s12 =	sand.u32 $0x1, s4;
	s9 =	smul.u32 $0x13C00, s1  }
0x7: {  	s4 =	sadd.s32 $0x16400, s5;
	s14 =	sadd.s32 $0x3DC00, s5;
	s13 =	smul.u32 $0x13C000, s12  }
0x8: {  	_ =	strace $0x80000047;
	s24 =	ssub.s32 $0x2, s12;
	s29 =	smul.u32 $0x4F0, s12  }
0x9: {  	s16 =	sadd.s32 s6, s5;
	s8 =	sshrl.u32 s24, $0x1;
	s7 =	sshrl.u32 s7, $0x2  }
0xa: {  	s10 =	sadd.s32 $0x4000, s9;
	s11 =	sadd.s32 $0x8000, s9;
	s17 =	sadd.s32 $0xC000, s9  }
0xb: {  	s18 =	sadd.s32 $0x10000, s9;
	s15 =	ssub.s32 s24, s8;
	s5 =	sadd.s32 s7, s2  }
0xc: {  	s6 =	sadd.s32 s10, s2;
	s7 =	sadd.s32 s11, s2;
	s8 =	sadd.s32 s17, s2  }
0xd: {  	s19 =	sadd.s32 s9, s13;
	s9 =	sadd.s32 s18, s2;
	s20 =	sadd.s32 s13, s10  }
0xe: {  	s26 =	sadd.s32 s13, s11;
	s17 =	sadd.s32 s13, s17;
	s18 =	sadd.s32 s13, s18  }
0xf: {  	s31 =	sadd.s32 s29, s16;
	s24 =	simm.s32 $0x0;
	s19 =	sshrl.u32 s19, $0x3  }
0x10: {  	s25 =	sshrl.u32 s20, $0x3;
	s28 =	sshrl.u32 s26, $0x3;
	s17 =	sshrl.u32 s17, $0x3  }
0x11: {  	s30 =	sshrl.u32 s18, $0x3;
	s15 =	smax.u32 s15, $0x1;
	s16 =	sadd.s32 $0xC600, s31  }
0x12: {  	s18 =	simm.s32 $0x13D00;
	s20 =	simm.s32 $0x13C00;
	s10 =	sadd.s32 s14, s19  }
0x13: {  	s11 =	sadd.s32 s14, s25;
	s12 =	sadd.s32 s14, s28;
	s13 =	sadd.s32 s14, s17  }
0x14: {  	v0 =	vimm.f32 $0.0e+00;
	s14 =	sadd.s32 s14, s30;
	s17 =	sadd.s32 $0x2800, s31;
	s19 =	simm.s32 $0x2  }
.LBB2_1:
0x15: {  	s25 =	simm.s32 $0x0;
	s26 =	simm.s32 $0x200  }
.LBB2_2:
0x16: {  	p0 =	sne.s32 s26, $0xFE00;
	[tilespmem:s25+$0x13D70] =	vst v0  }
0x17: {  	[tilespmem:s25+$0x13D00] =	vst v0  }
0x18: {  	[tilespmem:s25+$0x13D10] =	vst v0  }
.Ltmp0:
0x19: {  	[tilespmem:s25+$0x13D20] =	vst v0;
	(pc) =	sbr.rel @p0 .LBB2_2-.Ltmp0, $4  }
0x1a: {  	[tilespmem:s25+$0x13D30] =	vst v0  }
0x1b: {  	[tilespmem:s25+$0x13D40] =	vst v0  }
0x1c: {  	[tilespmem:s25+$0x13D50] =	vst v0  }
0x1d: {  	[tilespmem:s25+$0x13D60] =	vst v0;
	s25 =	sshra.s32 s26, $0x2;
	s26 =	sadd.s32 $0x200, s26  }
0x1e: {  	[tilespmem:s25+$0x13D70] =	vst v0  }
0x1f: {  	[tilespmem:s25+$0x13D00] =	vst v0  }
0x20: {  	[tilespmem:s25+$0x13D10] =	vst v0  }
0x21: {  	[tilespmem:s25+$0x13D20] =	vst v0  }
0x22: {  	[tilespmem:s25+$0x13D30] =	vst v0  }
0x23: {  	[tilespmem:s25+$0x13D40] =	vst v0  }
0x24: {  	[tilespmem:s25+$0x13D50] =	vst v0  }
0x25: {  	[tilespmem:s25+$0x13D60] =	vst v0  }
0x26: {  	[spmem:s5] =	stream.linear.scatter [tilespmem:s18], [sflag:$0x2], $0x4000, $0x38;
	[tilespmem:$0x17D00] =	vst v63  }
0x27: {  	_ =	swait.ge [sflag:s19], $0x4000  }
0x28: {  	[sflag:s19] =	ssyncset.done $0x0  }
0x29: {  	[sflag:s19] =	ssyncadd.s32 $0xFFFFC000  }
0x2a: {  	[spmem:s6] =	stream.linear.scatter [tilespmem:s18], [sflag:$0x2], $0x4000, $0x38;
	[tilespmem:$0x17D00] =	vst v63  }
0x2b: {  	_ =	swait.ge [sflag:s19], $0x4000  }
0x2c: {  	[sflag:s19] =	ssyncset.done $0x0  }
0x2d: {  	[sflag:s19] =	ssyncadd.s32 $0xFFFFC000  }
0x2e: {  	[spmem:s7] =	stream.linear.scatter [tilespmem:s18], [sflag:$0x2], $0x4000, $0x38;
	[tilespmem:$0x17D00] =	vst v63  }
0x2f: {  	_ =	swait.ge [sflag:s19], $0x4000  }
0x30: {  	[sflag:s19] =	ssyncset.done $0x0  }
0x31: {  	[sflag:s19] =	ssyncadd.s32 $0xFFFFC000  }
0x32: {  	[spmem:s8] =	stream.linear.scatter [tilespmem:s18], [sflag:$0x2], $0x4000, $0x38;
	[tilespmem:$0x17D00] =	vst v63  }
0x33: {  	_ =	swait.ge [sflag:s19], $0x4000  }
0x34: {  	[sflag:s19] =	ssyncset.done $0x0  }
0x35: {  	[sflag:s19] =	ssyncadd.s32 $0xFFFFC000  }
0x36: {  	[spmem:s9] =	stream.linear.scatter [tilespmem:s18], [sflag:$0x2], $0x3C00, $0x38;
	[tilespmem:$0x17D00] =	vst v63  }
0x37: {  	_ =	swait.ge [sflag:s19], $0x3C00  }
0x38: {  	[sflag:s19] =	ssyncset.done $0x0  }
0x39: {  	[sflag:s19] =	ssyncadd.s32 $0xFFFFC400  }
0x3a: {  	s30 =	sadd.s32 $0x0, s17;
	[bflag:$0x0] =	sbarrier.arrive $0xFFFF  }
0x3b: {  	[tilespmem:s20], [sflag:$0x2] =	stream.linear.gather [hbm4b:s30+s3], $0x80, $0x38;
	[tilespmem:$0x17D00] =	vst v63  }
0x3c: {  	_ =	swait.ge [sflag:s19], $0x80  }
0x3d: {  	[sflag:s19] =	ssyncset.done $0x0  }
0x3e: {  	s31 =	sadd.s32 $0x0, s16;
	[sflag:s19] =	ssyncadd.s32 $0xFFFFFF80  }
0x3f: {  	[tilespmem:s21], [sflag:$0x2] =	stream.linear.gather [hbm4b:s31+s3], $0x80, $0x38;
	[tilespmem:$0x17D00] =	vst v63  }
0x40: {  	_ =	swait.ge [sflag:s19], $0x80  }
0x41: {  	[sflag:s19] =	ssyncset.done $0x0  }
0x42: {  	[sflag:s19] =	ssyncadd.s32 $0xFFFFFF80  }
0x43: {  	[tilespmem:s18], [sflag:$0x1] =	stream.indirect.gather [hbm4b:s4+s22], $0x80, s20, s22, $0xb8;
	[tilespmem:$0x17D00] =	vst v63  }
0x44: {  	_ =	swait.ge [sflag:s23], $0x4000  }
0x45: {  	[sflag:s23] =	ssyncset.done $0x0  }
0x46: {  	[sflag:s23] =	ssyncadd.s32 $0xFFFFC000  }
0x47: {  	[spmem:s2] =	stream.indirect.scatter.add.f32 [tilespmem:s18], [sflag:$0x2], $0x80, s21, s22, $0xb8;
	[tilespmem:$0x17D00] =	vst v63  }
0x48: {  	_ =	swait.ge [sflag:s19], $0x4000  }
0x49: {  	s25 =	simm.s32 $0x10;
	s26 =	simm.s32 $0x20;
	[sflag:s19] =	ssyncset.done $0x0  }
.LBB2_4:
0x4a: {  	s28 =	sadd.s32 s25, s17  }
0x4b: {  	[sflag:s19] =	ssyncadd.s32 $0xFFFFC000;
	s29 =	smov.u32 s26;
	s30 =	sadd.s32 $0x10, s26  }
0x4c: {  	[tilespmem:s20], [sflag:$0x2] =	stream.linear.gather [hbm4b:s28+s3], $0x80, $0x38;
	[tilespmem:$0x17D00] =	vst v63  }
0x4d: {  	p0 =	sne.s32 s26, $0x4E0;
	_ =	swait.ge [sflag:s19], $0x80  }
0x4e: {  	[sflag:s19] =	ssyncset.done $0x0  }
0x4f: {  	s26 =	sadd.s32 s25, s16;
	s25 =	smov.u32 s29;
	[sflag:s19] =	ssyncadd.s32 $0xFFFFFF80  }
0x50: {  	[tilespmem:s21], [sflag:$0x2] =	stream.linear.gather [hbm4b:s26+s3], $0x80, $0x38;
	[tilespmem:$0x17D00] =	vst v63  }
0x51: {  	_ =	swait.ge [sflag:s19], $0x80  }
0x52: {  	[sflag:s19] =	ssyncset.done $0x0  }
0x53: {  	[sflag:s19] =	ssyncadd.s32 $0xFFFFFF80  }
0x54: {  	[tilespmem:s18], [sflag:$0x1] =	stream.indirect.gather [hbm4b:s4+s22], $0x80, s20, s22, $0xb8;
	[tilespmem:$0x17D00] =	vst v63  }
0x55: {  	_ =	swait.ge [sflag:s23], $0x4000  }
.Ltmp1:
0x56: {  	[sflag:s23] =	ssyncset.done $0x0;
	(pc) =	sbr.rel @p0 .LBB2_4-.Ltmp1, $4  }
0x57: {  	[sflag:s23] =	ssyncadd.s32 $0xFFFFC000  }
0x58: {  	[spmem:s2] =	stream.indirect.scatter.add.f32 [tilespmem:s18], [sflag:$0x2], $0x80, s21, s22, $0xb8;
	[tilespmem:$0x17D00] =	vst v63  }
0x59: {  	_ =	swait.ge [sflag:s19], $0x4000  }
0x5a: {  	s26 =	smov.u32 s30;
	[sflag:s19] =	ssyncset.done $0x0  }
0x5b: {  	s26 =	sadd.s32 s25, s17;
	[sflag:s19] =	ssyncadd.s32 $0xFFFFC000  }
0x5c: {  	[tilespmem:s20], [sflag:$0x2] =	stream.linear.gather [hbm4b:s26+s3], $0x80, $0x38;
	[tilespmem:$0x17D00] =	vst v63  }
0x5d: {  	_ =	swait.ge [sflag:s19], $0x80  }
0x5e: {  	[sflag:s19] =	ssyncset.done $0x0  }
0x5f: {  	s29 =	sadd.s32 s25, s16;
	[sflag:s19] =	ssyncadd.s32 $0xFFFFFF80  }
0x60: {  	[tilespmem:s21], [sflag:$0x2] =	stream.linear.gather [hbm4b:s29+s3], $0x80, $0x38;
	[tilespmem:$0x17D00] =	vst v63  }
0x61: {  	_ =	swait.ge [sflag:s19], $0x80  }
0x62: {  	[sflag:s19] =	ssyncset.done $0x0  }
0x63: {  	[sflag:s19] =	ssyncadd.s32 $0xFFFFFF80  }
0x64: {  	[tilespmem:s18], [sflag:$0x1] =	stream.indirect.gather [hbm4b:s4+s22], $0x80, s20, s22, $0xb8;
	[tilespmem:$0x17D00] =	vst v63  }
0x65: {  	_ =	swait.ge [sflag:s23], $0x4000  }
0x66: {  	[sflag:s23] =	ssyncset.done $0x0  }
0x67: {  	[sflag:s23] =	ssyncadd.s32 $0xFFFFC000  }
0x68: {  	[spmem:s2] =	stream.indirect.scatter.add.f32 [tilespmem:s18], [sflag:$0x2], $0x80, s21, s22, $0xb8;
	[tilespmem:$0x17D00] =	vst v63  }
0x69: {  	_ =	swait.ge [sflag:s19], $0x4000  }
0x6a: {  	[sflag:s19] =	ssyncset.done $0x0  }
0x6b: {  	s30 =	sshll.u32 s1, $0x6;
	[sflag:s19] =	ssyncadd.s32 $0xFFFFC000  }
0x6c: {  	s31 =	sshrl.u32 s5, $0x3;
	s25 =	sor.u32 $0x1C02, s30;
	[bflag:$0x0] =	sbarrier.arrive $0xFFFF  }
0x6d: {  	[hbm:s10], [sflag:s25] =	dma.local [spmem:s31], $0x800  }
0x6e: {  	_ =	swait.ge [sflag:s19], $0x800  }
0x6f: {  	[sflag:s19] =	ssyncset.done $0x0  }
0x70: {  	s28 =	sshrl.u32 s6, $0x3;
	[sflag:s19] =	ssyncadd.s32 $0xFFFFF800  }
0x71: {  	[hbm:s11], [sflag:s25] =	dma.local [spmem:s28], $0x800  }
0x72: {  	_ =	swait.ge [sflag:s19], $0x800  }
0x73: {  	[sflag:s19] =	ssyncset.done $0x0  }
0x74: {  	s29 =	sshrl.u32 s7, $0x3;
	[sflag:s19] =	ssyncadd.s32 $0xFFFFF800  }
0x75: {  	[hbm:s12], [sflag:s25] =	dma.local [spmem:s29], $0x800  }
0x76: {  	_ =	swait.ge [sflag:s19], $0x800  }
0x77: {  	[sflag:s19] =	ssyncset.done $0x0  }
0x78: {  	s30 =	sshrl.u32 s8, $0x3;
	[sflag:s19] =	ssyncadd.s32 $0xFFFFF800  }
0x79: {  	[hbm:s13], [sflag:s25] =	dma.local [spmem:s30], $0x800  }
0x7a: {  	s24 =	sadd.s32 $0x1, s24;
	_ =	swait.ge [sflag:s19], $0x800  }
0x7b: {  	p0 =	sne.s32 s24, s15;
	[sflag:s19] =	ssyncset.done $0x0  }
.Ltmp2:
0x7c: {  	s31 =	sshrl.u32 s9, $0x3;
	[sflag:s19] =	ssyncadd.s32 $0xFFFFF800;
	(pc) =	sbr.rel @p0 .LBB2_1-.Ltmp2, $4  }
0x7d: {  	[hbm:s14], [sflag:s25] =	dma.local [spmem:s31], $0x780  }
0x7e: {  	_ =	swait.ge [sflag:s19], $0x780  }
0x7f: {  	[sflag:s19] =	ssyncset.done $0x0  }
0x80: {  	[sflag:s19] =	ssyncadd.s32 $0xFFFFF880  }
0x81: {  	_ =	sfence.sel $0x180000  }
0x82: {  	[bflag:$0x0] =	sbarrier.arrive $0xFFFF  }
0x83: {  	p0 =	sne.s32 s1, $0x0;
	_ =	strace $0x90000047  }
0x84: {  	s0 =	sadd.s32 @!p0 $0x100000, s0;
	[bflag:$0x2] =	sbarrier.arrive $0xFFFF  }
0x85: {  	[sflag:s0] =	ssyncadd.tile.s32 @!p0 $0x1;
	_ =	shalt  }
.Lfunc_end2:
_tile_overlayer_lowered:
.L_overlay_start_2:
0x86: {  	(tag) =	ssettag $0x2  }
0x87: {  	s0 =	rddreg [dreg:$0x0];
	s2 =	stileid.u32  }
0x88: {  	s1 =	rddreg [dreg:$0x1];
	p0 =	sne.s32 s2, $0x0  }
0x89: {  	s3 =	rddreg [dreg:$0x2];
	[bflag:$0x3] =	sbarrier.arrive $0xFFFF;
	s2 =	simm.s32 @!p0 $0x1C02  }
0x8a: {  	[timem:s3], [sflag:s2] =	dma.local @!p0 [hbm:s0], s1  }
0x8b: {  	s0 =	simm.s32 @!p0 $0x2  }
0x8c: {  	_ =	swait.ge @!p0 [sflag:s0], s1  }
0x8d: {  	s1 =	ssub.s32 @!p0 $0x0, s1;
	[sflag:s0] =	ssyncset.done @!p0 $0x0  }
0x8e: {  	[sflag:s0] =	ssyncadd.s32 @!p0 s1  }
0x8f: {  	[bflag:$0x3] =	sbarrier.arrive $0xFFFF  }
0x90: {  	_ =	shalt  }

</sc_bundles>
